<compile_context>
chip_gen: v7x
topology: tpu7x:2x2x1
jax: 0.10.2.dev20260603
libtpu: 0.0.44.dev20260713+nightly
codegen_flags: <defaults>
</compile_context>

<pallas_src>
import functools

import jax
import jax.numpy as jnp
from jax import lax
from jax.experimental import pallas as pl
from jax.experimental.pallas import tpu as pltpu
from jax.experimental.pallas import tpu_sc as plsc

_NC = 2
_NS = 16
_NW = _NC * _NS
_LANES = 16
_PAD = 128
_CHUNK = 100
_NBUF = 2
_PRE = 2
_STEP = 4
_NSTG = 2


@functools.lru_cache(maxsize=None)
def _build(batch, seqlen, vocab, embed):
    rows = batch * seqlen
    bpw = batch // _NW
    hpw = rows // (_NW * _CHUNK)
    assert batch % _NW == 0
    assert seqlen == 2 * _CHUNK
    assert hpw % _STEP == 0
    assert embed % _LANES == 0
    nq = embed // _LANES

    mesh = plsc.VectorSubcoreMesh(core_axis_name="c", subcore_axis_name="s")

    @functools.partial(
        pl.kernel,
        out_type=jax.ShapeDtypeStruct((rows // _CHUNK, _CHUNK, embed), jnp.float32),
        mesh=mesh,
        scratch_types=[
            pltpu.VMEM((hpw, _CHUNK), jnp.int32),
            pltpu.VMEM((seqlen, embed), jnp.float32),
            pltpu.VMEM((_NBUF, _CHUNK, _PAD), jnp.float32),
            pltpu.VMEM((_NSTG, 2, _CHUNK, embed), jnp.float32),
        ] + [pltpu.SemaphoreType.DMA] * (_NBUF + _NSTG),
    )
    def fused(x_hbm, tok_hbm, pos_hbm, out_hbm, idx_v, pos_v, rows_v, stg_v,
              *sems):
        gsem = sems[:_NBUF]
        osem = sems[_NBUF:]
        cid = lax.axis_index("c")
        sid = lax.axis_index("s")
        wid = sid * _NC + cid
        pltpu.sync_copy(x_hbm.at[wid], idx_v)
        pltpu.sync_copy(pos_hbm, pos_v)

        def gstart(h, b):
            pltpu.async_copy(tok_hbm.at[idx_v.at[h]], rows_v.at[b], gsem[b])

        def gwait(h, b):
            pltpu.make_async_copy(
                tok_hbm.at[idx_v.at[h]], rows_v.at[b], gsem[b]
            ).wait()

        def ostart(c, o):
            pltpu.async_copy(
                stg_v.at[o], out_hbm.at[pl.ds((wid * bpw + c) * 2, 2)], osem[o]
            )

        def owait(o):
            pltpu.make_async_copy(
                stg_v.at[o], out_hbm.at[pl.ds(0, 2)], osem[o]
            ).wait()

        for b in range(_PRE):
            gstart(b, b)

        def outer(i, carry):
            h0 = i * _STEP
            for k in range(_STEP):
                h = h0 + k
                half = k % 2
                o = k // 2
                gwait(h, k % _NBUF)

                if half == 0:
                    @pl.when(i >= 1)
                    def _():
                        owait(o)

                soff = half * _CHUNK

                def addrow(j, c2):
                    for q in range(nq):
                        sl = pl.ds(q * _LANES, _LANES)
                        stg_v[o, half, j, sl] = (
                            rows_v[k % _NBUF, j, sl] + pos_v[soff + j, sl]
                        )
                    return c2

                lax.fori_loop(0, _CHUNK, addrow, None)

                if half == 1:
                    ostart(i * 2 + o, o)

                u = h + _PRE
                bu = (k + _PRE) % _NBUF

                @pl.when(u < hpw)
                def _():
                    gstart(u, bu)

            return carry

        lax.fori_loop(0, hpw // _STEP, outer, None)
        for o in range(_NSTG):
            owait(o)

    return fused


def kernel(x, token_table, pos_table):
    batch, seqlen = x.shape
    vocab, embed = token_table.shape
    fused = _build(batch, seqlen, vocab, embed)
    rows = batch * seqlen
    x3 = x.astype(jnp.int32).reshape(_NW, rows // (_NW * _CHUNK), _CHUNK)
    tok_pad = jnp.pad(token_table, ((0, 0), (0, _PAD - embed)))
    out = fused(x3, tok_pad, pos_table)
    return out.reshape(batch, seqlen, embed)

# --- scband reference (transcript-rebuilt; emitter-appended) ---
"""Pipeline reference for scband-token-and-position-embedding-39599598469456 (READ-ONLY COPY).

The authoritative reference and input builder live on the scoring server;
editing this copy changes nothing except your own understanding.
"""

import jax, jax.numpy as jnp
import numpy as np

VOCAB = 100000
MAXLEN = 200
EMBED = 64
BATCH = 1024

def setup_inputs(seed: int = 0) -> dict:
    key = jax.random.key(seed)
    k1, k2, k3 = jax.random.split(key, 3)
    x = jax.random.randint(k1, (BATCH, MAXLEN), 0, VOCAB, dtype=jnp.int64 if jax.config.jax_enable_x64 else jnp.int32)
    token_table = jax.random.normal(k2, (VOCAB, EMBED), dtype=jnp.float32) * 0.02
    pos_table = jax.random.normal(k3, (MAXLEN, EMBED), dtype=jnp.float32) * 0.02
    return {"x": x, "token_table": token_table, "pos_table": pos_table}

def reference(x, token_table, pos_table):
    seqlen = x.shape[-1]
    positions = jnp.arange(seqlen)
    pos_emb = jnp.take(pos_table, positions, axis=0)          # [seqlen, embed]
    tok_emb = jnp.take(token_table, x, axis=0)                # [batch, seqlen, embed]
    return tok_emb + pos_emb

if __name__ == "__main__":
    import jax
    _d = setup_inputs()
    print(jax.jit(kernel)(*tuple(_d.values())))

</pallas_src>

<mosaic_0001>
#map = affine_map<(d0, d1) -> (0, 0, 0)>
#map1 = affine_map<(d0, d1) -> (0, 0)>
module attributes {stable_mosaic.version = 14 : i64} {
  func.func @fused(%arg0: i32, %arg1: i32, %arg2: memref<32x64x100xi32, #tpu.memory_space<hbm>>, %arg3: memref<100000x128xf32, #tpu.memory_space<hbm>>, %arg4: memref<200x64xf32, #tpu.memory_space<hbm>>, %arg5: memref<2048x100x64xf32, #tpu.memory_space<hbm>>, %arg6: memref<64x100xi32, #tpu.memory_space<vmem>>, %arg7: memref<200x64xf32, #tpu.memory_space<vmem>>, %arg8: memref<2x100x128xf32, #tpu.memory_space<vmem>>, %arg9: memref<2x2x100x64xf32, #tpu.memory_space<vmem>>, %arg10: memref<!tpu.dma_semaphore, #tpu.memory_space<semaphore_mem>>, %arg11: memref<!tpu.dma_semaphore, #tpu.memory_space<semaphore_mem>>, %arg12: memref<!tpu.dma_semaphore, #tpu.memory_space<semaphore_mem>>, %arg13: memref<!tpu.dma_semaphore, #tpu.memory_space<semaphore_mem>>) attributes {dimension_semantics = [#tpu.dimension_semantics<core_parallel>, #tpu.dimension_semantics<subcore_parallel>], iteration_bounds = array<i64: 2, 16>, scalar_prefetch = 0 : i64, scratch_operands = 8 : i64, tpu.core_type = #tpu.core_type<sc_vector_subcore>, window_params = [{transform_indices = #map}, {transform_indices = #map1}, {transform_indices = #map1}, {transform_indices = #map}]} {
    %mul3A = arith.constant 2 : i32
    %mul3A_0 = arith.muli %arg1, %mul3A : i32
    %add3A = arith.addi %mul3A_0, %arg0 : i32
    "tpu.region"() ({
      %run_scoped3A = tpu.sem_alloc : memref<!tpu.dma_semaphore, #tpu.memory_space<semaphore_mem>>
      %dma_start3A_65 = arith.constant 0 : i32
      %dma_start3A_66 = arith.constant 0 : i32
      %dma_start3A_67 = tpu.memref_slice %arg2[%add3A, %dma_start3A_65, %dma_start3A_66] : memref<32x64x100xi32, #tpu.memory_space<hbm>> -> memref<1x64x100xi32, #tpu.memory_space<hbm>>
      %dma_start3A_68 = tpu.memref_squeeze %dma_start3A_67 : memref<1x64x100xi32, #tpu.memory_space<hbm>> -> memref<64x100xi32, #tpu.memory_space<hbm>>
      %dma_start3A_69 = arith.constant 0 : i32
      %dma_start3A_70 = arith.constant 0 : i32
      %dma_start3A_71 = tpu.memref_slice %arg2[%add3A, %dma_start3A_69, %dma_start3A_70] : memref<32x64x100xi32, #tpu.memory_space<hbm>> -> memref<1x64x100xi32, #tpu.memory_space<hbm>>
      %dma_start3A_72 = tpu.memref_squeeze %dma_start3A_71 : memref<1x64x100xi32, #tpu.memory_space<hbm>> -> memref<64x100xi32, #tpu.memory_space<hbm>>
      tpu.enqueue_dma source(%dma_start3A_72 : memref<64x100xi32, #tpu.memory_space<hbm>>) target(%arg6 : memref<64x100xi32, #tpu.memory_space<vmem>>) target_semaphore(%run_scoped3A : memref<!tpu.dma_semaphore, #tpu.memory_space<semaphore_mem>>)
      %dma_wait3A_73 = arith.constant 0 : i32
      %dma_wait3A_74 = arith.constant 0 : i32
      %dma_wait3A_75 = tpu.memref_slice %arg2[%add3A, %dma_wait3A_73, %dma_wait3A_74] : memref<32x64x100xi32, #tpu.memory_space<hbm>> -> memref<1x64x100xi32, #tpu.memory_space<hbm>>
      %dma_wait3A_76 = tpu.memref_squeeze %dma_wait3A_75 : memref<1x64x100xi32, #tpu.memory_space<hbm>> -> memref<64x100xi32, #tpu.memory_space<hbm>>
      %dma_wait3A_77 = arith.constant 0 : i32
      %dma_wait3A_78 = arith.constant 0 : i32
      %dma_wait3A_79 = tpu.memref_slice %arg2[%add3A, %dma_wait3A_77, %dma_wait3A_78] : memref<32x64x100xi32, #tpu.memory_space<hbm>> -> memref<1x64x100xi32, #tpu.memory_space<hbm>>
      %dma_wait3A_80 = tpu.memref_squeeze %dma_wait3A_79 : memref<1x64x100xi32, #tpu.memory_space<hbm>> -> memref<64x100xi32, #tpu.memory_space<hbm>>
      tpu.wait_dma2 semaphore(%run_scoped3A : memref<!tpu.dma_semaphore, #tpu.memory_space<semaphore_mem>>) src(%dma_wait3A_80 : memref<64x100xi32, #tpu.memory_space<hbm>>) dst(%arg6 : memref<64x100xi32, #tpu.memory_space<vmem>>)
      tpu.yield
    }) : () -> ()
    "tpu.region"() ({
      %run_scoped3A = tpu.sem_alloc : memref<!tpu.dma_semaphore, #tpu.memory_space<semaphore_mem>>
      tpu.enqueue_dma source(%arg4 : memref<200x64xf32, #tpu.memory_space<hbm>>) target(%arg7 : memref<200x64xf32, #tpu.memory_space<vmem>>) target_semaphore(%run_scoped3A : memref<!tpu.dma_semaphore, #tpu.memory_space<semaphore_mem>>)
      tpu.wait_dma2 semaphore(%run_scoped3A : memref<!tpu.dma_semaphore, #tpu.memory_space<semaphore_mem>>) src(%arg4 : memref<200x64xf32, #tpu.memory_space<hbm>>) dst(%arg7 : memref<200x64xf32, #tpu.memory_space<vmem>>)
      tpu.yield
    }) : () -> ()
    %dma_start3A = arith.constant 0 : i32
    %dma_start3A_1 = arith.constant 0 : i32
    %dma_start3A_2 = arith.constant 0 : i32
    %dma_start3A_3 = arith.constant 0 : i32
    %dma_start3A_4 = tpu.memref_slice %arg8[%dma_start3A_1, %dma_start3A_2, %dma_start3A_3] : memref<2x100x128xf32, #tpu.memory_space<vmem>> -> memref<1x100x128xf32, #tpu.memory_space<vmem>>
    %dma_start3A_5 = tpu.memref_squeeze %dma_start3A_4 : memref<1x100x128xf32, #tpu.memory_space<vmem>> -> memref<100x128xf32, #tpu.memory_space<vmem>>
    %dma_start3A_6 = arith.constant 0 : i32
    %dma_start3A_7 = tpu.memref_slice %arg6[%dma_start3A, %dma_start3A_6] : memref<64x100xi32, #tpu.memory_space<vmem>> -> memref<1x100xi32, #tpu.memory_space<vmem>>
    %dma_start3A_8 = tpu.memref_squeeze %dma_start3A_7 : memref<1x100xi32, #tpu.memory_space<vmem>> -> memref<100xi32, #tpu.memory_space<vmem>>
    %dma_start3A_9 = arith.constant 0 : i32
    %dma_start3A_10 = arith.constant 0 : i32
    %dma_start3A_11 = tpu.memref_slice %arg3[%dma_start3A_9, %dma_start3A_10] : memref<100000x128xf32, #tpu.memory_space<hbm>> -> memref<100000x128xf32, #tpu.memory_space<hbm>>
    tpu.enqueue_indirect_dma source(%dma_start3A_11 : memref<100000x128xf32, #tpu.memory_space<hbm>>) target(%dma_start3A_5 : memref<100x128xf32, #tpu.memory_space<vmem>>) offsets(%dma_start3A_8 : memref<100xi32, #tpu.memory_space<vmem>>) semaphore(%arg10 : memref<!tpu.dma_semaphore, #tpu.memory_space<semaphore_mem>>)
    %dma_start3A_12 = arith.constant 1 : i32
    %dma_start3A_13 = arith.constant 1 : i32
    %dma_start3A_14 = arith.constant 0 : i32
    %dma_start3A_15 = arith.constant 0 : i32
    %dma_start3A_16 = tpu.memref_slice %arg8[%dma_start3A_13, %dma_start3A_14, %dma_start3A_15] : memref<2x100x128xf32, #tpu.memory_space<vmem>> -> memref<1x100x128xf32, #tpu.memory_space<vmem>>
    %dma_start3A_17 = tpu.memref_squeeze %dma_start3A_16 : memref<1x100x128xf32, #tpu.memory_space<vmem>> -> memref<100x128xf32, #tpu.memory_space<vmem>>
    %dma_start3A_18 = arith.constant 0 : i32
    %dma_start3A_19 = tpu.memref_slice %arg6[%dma_start3A_12, %dma_start3A_18] : memref<64x100xi32, #tpu.memory_space<vmem>> -> memref<1x100xi32, #tpu.memory_space<vmem>>
    %dma_start3A_20 = tpu.memref_squeeze %dma_start3A_19 : memref<1x100xi32, #tpu.memory_space<vmem>> -> memref<100xi32, #tpu.memory_space<vmem>>
    %dma_start3A_21 = arith.constant 0 : i32
    %dma_start3A_22 = arith.constant 0 : i32
    %dma_start3A_23 = tpu.memref_slice %arg3[%dma_start3A_21, %dma_start3A_22] : memref<100000x128xf32, #tpu.memory_space<hbm>> -> memref<100000x128xf32, #tpu.memory_space<hbm>>
    tpu.enqueue_indirect_dma source(%dma_start3A_23 : memref<100000x128xf32, #tpu.memory_space<hbm>>) target(%dma_start3A_17 : memref<100x128xf32, #tpu.memory_space<vmem>>) offsets(%dma_start3A_20 : memref<100xi32, #tpu.memory_space<vmem>>) semaphore(%arg11 : memref<!tpu.dma_semaphore, #tpu.memory_space<semaphore_mem>>)
    %scan3A = arith.constant 0 : i32
    %scan3A_24 = arith.constant 16 : i32
    %scan3A_25 = arith.addi %scan3A, %scan3A_24 : i32
    %scan3A_26 = arith.constant 1 : i32
    scf.for %scan3A_65 = %scan3A to %scan3A_25 step %scan3A_26  : i32 {
      %mul3A_66 = arith.constant 4 : i32
      %mul3A_67 = arith.muli %scan3A_65, %mul3A_66 : i32
      %add3A_68 = arith.constant 0 : i32
      %add3A_69 = arith.addi %mul3A_67, %add3A_68 : i32
      %dma_wait3A_70 = arith.constant 0 : i32
      %dma_wait3A_71 = arith.constant 0 : i32
      %dma_wait3A_72 = arith.constant 0 : i32
      %dma_wait3A_73 = tpu.memref_slice %arg8[%dma_wait3A_70, %dma_wait3A_71, %dma_wait3A_72] : memref<2x100x128xf32, #tpu.memory_space<vmem>> -> memref<1x100x128xf32, #tpu.memory_space<vmem>>
      %dma_wait3A_74 = tpu.memref_squeeze %dma_wait3A_73 : memref<1x100x128xf32, #tpu.memory_space<vmem>> -> memref<100x128xf32, #tpu.memory_space<vmem>>
      %dma_wait3A_75 = arith.constant 0 : i32
      %dma_wait3A_76 = tpu.memref_slice %arg6[%add3A_69, %dma_wait3A_75] : memref<64x100xi32, #tpu.memory_space<vmem>> -> memref<1x100xi32, #tpu.memory_space<vmem>>
      %dma_wait3A_77 = tpu.memref_squeeze %dma_wait3A_76 : memref<1x100xi32, #tpu.memory_space<vmem>> -> memref<100xi32, #tpu.memory_space<vmem>>
      %dma_wait3A_78 = arith.constant 0 : i32
      %dma_wait3A_79 = arith.constant 0 : i32
      %dma_wait3A_80 = tpu.memref_slice %arg3[%dma_wait3A_78, %dma_wait3A_79] : memref<100000x128xf32, #tpu.memory_space<hbm>> -> memref<100000x128xf32, #tpu.memory_space<hbm>>
      tpu.wait_indirect_dma semaphore(%arg10 : memref<!tpu.dma_semaphore, #tpu.memory_space<semaphore_mem>>) src(%dma_wait3A_80 : memref<100000x128xf32, #tpu.memory_space<hbm>>) dst(%dma_wait3A_74 : memref<100x128xf32, #tpu.memory_space<vmem>>)
      %ge3A = arith.constant 1 : i32
      %ge3A_81 = arith.cmpi sge, %scan3A_65, %ge3A : i32
      %convert_element_type3A = arith.extui %ge3A_81 : i1 to i32
      %cond3A = arith.constant 0 : i32
      %cond3A_82 = arith.cmpi ne, %convert_element_type3A, %cond3A : i32
      scf.if %cond3A_82 {
        %dma_wait3A_226 = arith.constant 0 : i32
        %dma_wait3A_227 = arith.constant 0 : i32
        %dma_wait3A_228 = arith.constant 0 : i32
        %dma_wait3A_229 = arith.constant 0 : i32
        %dma_wait3A_230 = tpu.memref_slice %arg9[%dma_wait3A_226, %dma_wait3A_227, %dma_wait3A_228, %dma_wait3A_229] : memref<2x2x100x64xf32, #tpu.memory_space<vmem>> -> memref<1x2x100x64xf32, #tpu.memory_space<vmem>>
        %dma_wait3A_231 = tpu.memref_squeeze %dma_wait3A_230 : memref<1x2x100x64xf32, #tpu.memory_space<vmem>> -> memref<2x100x64xf32, #tpu.memory_space<vmem>>
        %dma_wait3A_232 = arith.constant 0 : i32
        %dma_wait3A_233 = arith.constant 0 : i32
        %dma_wait3A_234 = arith.constant 0 : i32
        %dma_wait3A_235 = tpu.memref_slice %arg5[%dma_wait3A_232, %dma_wait3A_233, %dma_wait3A_234] : memref<2048x100x64xf32, #tpu.memory_space<hbm>> -> memref<2x100x64xf32, #tpu.memory_space<hbm>>
        %dma_wait3A_236 = arith.constant 0 : i32
        %dma_wait3A_237 = arith.constant 0 : i32
        %dma_wait3A_238 = arith.constant 0 : i32
        %dma_wait3A_239 = tpu.memref_slice %arg5[%dma_wait3A_236, %dma_wait3A_237, %dma_wait3A_238] : memref<2048x100x64xf32, #tpu.memory_space<hbm>> -> memref<2x100x64xf32, #tpu.memory_space<hbm>>
        %dma_wait3A_240 = arith.constant 0 : i32
        %dma_wait3A_241 = arith.constant 0 : i32
        %dma_wait3A_242 = arith.constant 0 : i32
        %dma_wait3A_243 = tpu.memref_slice %arg9[%dma_wait3A_226, %dma_wait3A_240, %dma_wait3A_241, %dma_wait3A_242] : memref<2x2x100x64xf32, #tpu.memory_space<vmem>> -> memref<1x2x100x64xf32, #tpu.memory_space<vmem>>
        %dma_wait3A_244 = tpu.memref_squeeze %dma_wait3A_243 : memref<1x2x100x64xf32, #tpu.memory_space<vmem>> -> memref<2x100x64xf32, #tpu.memory_space<vmem>>
        tpu.wait_dma2 semaphore(%arg12 : memref<!tpu.dma_semaphore, #tpu.memory_space<semaphore_mem>>) src(%dma_wait3A_244 : memref<2x100x64xf32, #tpu.memory_space<vmem>>) dst(%dma_wait3A_239 : memref<2x100x64xf32, #tpu.memory_space<hbm>>)
      } else {
      }
      %scan3A_83 = arith.constant 0 : i32
      %scan3A_84 = arith.constant 100 : i32
      %scan3A_85 = arith.addi %scan3A_83, %scan3A_84 : i32
      %scan3A_86 = arith.constant 1 : i32
      scf.for %scan3A_226 = %scan3A_83 to %scan3A_85 step %scan3A_86  : i32 {
        %get3A = arith.constant 0 : i32
        %get3A_227 = arith.index_cast %get3A : i32 to index
        %get3A_228 = arith.index_cast %scan3A_226 : i32 to index
        %get3A_229 = arith.constant 0 : index
        %get3A_230 = tpu.vector_load %arg8[%get3A_227, %get3A_228, %get3A_229] {strides = array<i32>} : memref<2x100x128xf32, #tpu.memory_space<vmem>>, vector<1x1x16xf32>,
        %get3A_231 = vector.shape_cast %get3A_230 : vector<1x1x16xf32> to vector<16xf32>
        %add3A_232 = arith.constant 0 : i32
        %add3A_233 = arith.addi %add3A_232, %scan3A_226 : i32
        %get3A_234 = arith.index_cast %add3A_233 : i32 to index
        %get3A_235 = arith.constant 0 : index
        %get3A_236 = tpu.vector_load %arg7[%get3A_234, %get3A_235] {strides = array<i32>} : memref<200x64xf32, #tpu.memory_space<vmem>>, vector<1x16xf32>,
        %get3A_237 = vector.shape_cast %get3A_236 : vector<1x16xf32> to vector<16xf32>
        %add3A_238 = arith.addf %get3A_231, %get3A_237 : vector<16xf32>
        %swap3A = arith.constant 0 : i32
        %swap3A_239 = arith.constant 0 : i32
        %swap3A_240 = arith.index_cast %swap3A : i32 to index
        %swap3A_241 = arith.index_cast %swap3A_239 : i32 to index
        %swap3A_242 = arith.index_cast %scan3A_226 : i32 to index
        %swap3A_243 = arith.constant 0 : index
        %swap3A_244 = tpu.vector_load %arg9[%swap3A_240, %swap3A_241, %swap3A_242, %swap3A_243] {strides = array<i32>} : memref<2x2x100x64xf32, #tpu.memory_space<vmem>>, vector<1x1x1x16xf32>,
        %swap3A_245 = vector.shape_cast %swap3A_244 : vector<1x1x1x16xf32> to vector<16xf32>
        %swap3A_246 = vector.shape_cast %add3A_238 : vector<16xf32> to vector<1x1x1x16xf32>
        tpu.vector_store %arg9[%swap3A_240, %swap3A_241, %swap3A_242, %swap3A_243], %swap3A_246 {strides = array<i32>} : memref<2x2x100x64xf32, #tpu.memory_space<vmem>>, vector<1x1x1x16xf32>,
        %get3A_247 = arith.constant 0 : i32
        %get3A_248 = arith.index_cast %get3A_247 : i32 to index
        %get3A_249 = arith.index_cast %scan3A_226 : i32 to index
        %get3A_250 = arith.constant 16 : index
        %get3A_251 = tpu.vector_load %arg8[%get3A_248, %get3A_249, %get3A_250] {strides = array<i32>} : memref<2x100x128xf32, #tpu.memory_space<vmem>>, vector<1x1x16xf32>,
        %get3A_252 = vector.shape_cast %get3A_251 : vector<1x1x16xf32> to vector<16xf32>
        %add3A_253 = arith.constant 0 : i32
        %add3A_254 = arith.addi %add3A_253, %scan3A_226 : i32
        %get3A_255 = arith.index_cast %add3A_254 : i32 to index
        %get3A_256 = arith.constant 16 : index
        %get3A_257 = tpu.vector_load %arg7[%get3A_255, %get3A_256] {strides = array<i32>} : memref<200x64xf32, #tpu.memory_space<vmem>>, vector<1x16xf32>,
        %get3A_258 = vector.shape_cast %get3A_257 : vector<1x16xf32> to vector<16xf32>
        %add3A_259 = arith.addf %get3A_252, %get3A_258 : vector<16xf32>
        %swap3A_260 = arith.constant 0 : i32
        %swap3A_261 = arith.constant 0 : i32
        %swap3A_262 = arith.index_cast %swap3A_260 : i32 to index
        %swap3A_263 = arith.index_cast %swap3A_261 : i32 to index
        %swap3A_264 = arith.index_cast %scan3A_226 : i32 to index
        %swap3A_265 = arith.constant 16 : index
        %swap3A_266 = tpu.vector_load %arg9[%swap3A_262, %swap3A_263, %swap3A_264, %swap3A_265] {strides = array<i32>} : memref<2x2x100x64xf32, #tpu.memory_space<vmem>>, vector<1x1x1x16xf32>,
        %swap3A_267 = vector.shape_cast %swap3A_266 : vector<1x1x1x16xf32> to vector<16xf32>
        %swap3A_268 = vector.shape_cast %add3A_259 : vector<16xf32> to vector<1x1x1x16xf32>
        tpu.vector_store %arg9[%swap3A_262, %swap3A_263, %swap3A_264, %swap3A_265], %swap3A_268 {strides = array<i32>} : memref<2x2x100x64xf32, #tpu.memory_space<vmem>>, vector<1x1x1x16xf32>,
        %get3A_269 = arith.constant 0 : i32
        %get3A_270 = arith.index_cast %get3A_269 : i32 to index
        %get3A_271 = arith.index_cast %scan3A_226 : i32 to index
        %get3A_272 = arith.constant 32 : index
        %get3A_273 = tpu.vector_load %arg8[%get3A_270, %get3A_271, %get3A_272] {strides = array<i32>} : memref<2x100x128xf32, #tpu.memory_space<vmem>>, vector<1x1x16xf32>,
        %get3A_274 = vector.shape_cast %get3A_273 : vector<1x1x16xf32> to vector<16xf32>
        %add3A_275 = arith.constant 0 : i32
        %add3A_276 = arith.addi %add3A_275, %scan3A_226 : i32
        %get3A_277 = arith.index_cast %add3A_276 : i32 to index
        %get3A_278 = arith.constant 32 : index
        %get3A_279 = tpu.vector_load %arg7[%get3A_277, %get3A_278] {strides = array<i32>} : memref<200x64xf32, #tpu.memory_space<vmem>>, vector<1x16xf32>,
        %get3A_280 = vector.shape_cast %get3A_279 : vector<1x16xf32> to vector<16xf32>
        %add3A_281 = arith.addf %get3A_274, %get3A_280 : vector<16xf32>
        %swap3A_282 = arith.constant 0 : i32
        %swap3A_283 = arith.constant 0 : i32
        %swap3A_284 = arith.index_cast %swap3A_282 : i32 to index
        %swap3A_285 = arith.index_cast %swap3A_283 : i32 to index
        %swap3A_286 = arith.index_cast %scan3A_226 : i32 to index
        %swap3A_287 = arith.constant 32 : index
        %swap3A_288 = tpu.vector_load %arg9[%swap3A_284, %swap3A_285, %swap3A_286, %swap3A_287] {strides = array<i32>} : memref<2x2x100x64xf32, #tpu.memory_space<vmem>>, vector<1x1x1x16xf32>,
        %swap3A_289 = vector.shape_cast %swap3A_288 : vector<1x1x1x16xf32> to vector<16xf32>
        %swap3A_290 = vector.shape_cast %add3A_281 : vector<16xf32> to vector<1x1x1x16xf32>
        tpu.vector_store %arg9[%swap3A_284, %swap3A_285, %swap3A_286, %swap3A_287], %swap3A_290 {strides = array<i32>} : memref<2x2x100x64xf32, #tpu.memory_space<vmem>>, vector<1x1x1x16xf32>,
        %get3A_291 = arith.constant 0 : i32
        %get3A_292 = arith.index_cast %get3A_291 : i32 to index
        %get3A_293 = arith.index_cast %scan3A_226 : i32 to index
        %get3A_294 = arith.constant 48 : index
        %get3A_295 = tpu.vector_load %arg8[%get3A_292, %get3A_293, %get3A_294] {strides = array<i32>} : memref<2x100x128xf32, #tpu.memory_space<vmem>>, vector<1x1x16xf32>,
        %get3A_296 = vector.shape_cast %get3A_295 : vector<1x1x16xf32> to vector<16xf32>
        %add3A_297 = arith.constant 0 : i32
        %add3A_298 = arith.addi %add3A_297, %scan3A_226 : i32
        %get3A_299 = arith.index_cast %add3A_298 : i32 to index
        %get3A_300 = arith.constant 48 : index
        %get3A_301 = tpu.vector_load %arg7[%get3A_299, %get3A_300] {strides = array<i32>} : memref<200x64xf32, #tpu.memory_space<vmem>>, vector<1x16xf32>,
        %get3A_302 = vector.shape_cast %get3A_301 : vector<1x16xf32> to vector<16xf32>
        %add3A_303 = arith.addf %get3A_296, %get3A_302 : vector<16xf32>
        %swap3A_304 = arith.constant 0 : i32
        %swap3A_305 = arith.constant 0 : i32
        %swap3A_306 = arith.index_cast %swap3A_304 : i32 to index
        %swap3A_307 = arith.index_cast %swap3A_305 : i32 to index
        %swap3A_308 = arith.index_cast %scan3A_226 : i32 to index
        %swap3A_309 = arith.constant 48 : index
        %swap3A_310 = tpu.vector_load %arg9[%swap3A_306, %swap3A_307, %swap3A_308, %swap3A_309] {strides = array<i32>} : memref<2x2x100x64xf32, #tpu.memory_space<vmem>>, vector<1x1x1x16xf32>,
        %swap3A_311 = vector.shape_cast %swap3A_310 : vector<1x1x1x16xf32> to vector<16xf32>
        %swap3A_312 = vector.shape_cast %add3A_303 : vector<16xf32> to vector<1x1x1x16xf32>
        tpu.vector_store %arg9[%swap3A_306, %swap3A_307, %swap3A_308, %swap3A_309], %swap3A_312 {strides = array<i32>} : memref<2x2x100x64xf32, #tpu.memory_space<vmem>>, vector<1x1x1x16xf32>,
      }
      %scan3A_87 = arith.constant 100 : i32
      %add3A_88 = arith.constant 2 : i32
      %add3A_89 = arith.addi %add3A_69, %add3A_88 : i32
      %lt3A = arith.constant 64 : i32
      %lt3A_90 = arith.cmpi slt, %add3A_89, %lt3A : i32
      %convert_element_type3A_91 = arith.extui %lt3A_90 : i1 to i32
      %cond3A_92 = arith.constant 0 : i32
      %cond3A_93 = arith.cmpi ne, %convert_element_type3A_91, %cond3A_92 : i32
      scf.if %cond3A_93 {
        %dma_start3A_226 = arith.constant 0 : i32
        %dma_start3A_227 = arith.constant 0 : i32
        %dma_start3A_228 = arith.constant 0 : i32
        %dma_start3A_229 = tpu.memref_slice %arg8[%dma_start3A_226, %dma_start3A_227, %dma_start3A_228] : memref<2x100x128xf32, #tpu.memory_space<vmem>> -> memref<1x100x128xf32, #tpu.memory_space<vmem>>
        %dma_start3A_230 = tpu.memref_squeeze %dma_start3A_229 : memref<1x100x128xf32, #tpu.memory_space<vmem>> -> memref<100x128xf32, #tpu.memory_space<vmem>>
        %dma_start3A_231 = arith.constant 0 : i32
        %dma_start3A_232 = tpu.memref_slice %arg6[%add3A_89, %dma_start3A_231] : memref<64x100xi32, #tpu.memory_space<vmem>> -> memref<1x100xi32, #tpu.memory_space<vmem>>
        %dma_start3A_233 = tpu.memref_squeeze %dma_start3A_232 : memref<1x100xi32, #tpu.memory_space<vmem>> -> memref<100xi32, #tpu.memory_space<vmem>>
        %dma_start3A_234 = arith.constant 0 : i32
        %dma_start3A_235 = arith.constant 0 : i32
        %dma_start3A_236 = tpu.memref_slice %arg3[%dma_start3A_234, %dma_start3A_235] : memref<100000x128xf32, #tpu.memory_space<hbm>> -> memref<100000x128xf32, #tpu.memory_space<hbm>>
        tpu.enqueue_indirect_dma source(%dma_start3A_236 : memref<100000x128xf32, #tpu.memory_space<hbm>>) target(%dma_start3A_230 : memref<100x128xf32, #tpu.memory_space<vmem>>) offsets(%dma_start3A_233 : memref<100xi32, #tpu.memory_space<vmem>>) semaphore(%arg10 : memref<!tpu.dma_semaphore, #tpu.memory_space<semaphore_mem>>)
      } else {
      }
      %add3A_94 = arith.constant 1 : i32
      %add3A_95 = arith.addi %mul3A_67, %add3A_94 : i32
      %dma_wait3A_96 = arith.constant 1 : i32
      %dma_wait3A_97 = arith.constant 0 : i32
      %dma_wait3A_98 = arith.constant 0 : i32
      %dma_wait3A_99 = tpu.memref_slice %arg8[%dma_wait3A_96, %dma_wait3A_97, %dma_wait3A_98] : memref<2x100x128xf32, #tpu.memory_space<vmem>> -> memref<1x100x128xf32, #tpu.memory_space<vmem>>
      %dma_wait3A_100 = tpu.memref_squeeze %dma_wait3A_99 : memref<1x100x128xf32, #tpu.memory_space<vmem>> -> memref<100x128xf32, #tpu.memory_space<vmem>>
      %dma_wait3A_101 = arith.constant 0 : i32
      %dma_wait3A_102 = tpu.memref_slice %arg6[%add3A_95, %dma_wait3A_101] : memref<64x100xi32, #tpu.memory_space<vmem>> -> memref<1x100xi32, #tpu.memory_space<vmem>>
      %dma_wait3A_103 = tpu.memref_squeeze %dma_wait3A_102 : memref<1x100xi32, #tpu.memory_space<vmem>> -> memref<100xi32, #tpu.memory_space<vmem>>
      %dma_wait3A_104 = arith.constant 0 : i32
      %dma_wait3A_105 = arith.constant 0 : i32
      %dma_wait3A_106 = tpu.memref_slice %arg3[%dma_wait3A_104, %dma_wait3A_105] : memref<100000x128xf32, #tpu.memory_space<hbm>> -> memref<100000x128xf32, #tpu.memory_space<hbm>>
      tpu.wait_indirect_dma semaphore(%arg11 : memref<!tpu.dma_semaphore, #tpu.memory_space<semaphore_mem>>) src(%dma_wait3A_106 : memref<100000x128xf32, #tpu.memory_space<hbm>>) dst(%dma_wait3A_100 : memref<100x128xf32, #tpu.memory_space<vmem>>)
      %scan3A_107 = arith.constant 0 : i32
      %scan3A_108 = arith.constant 100 : i32
      %scan3A_109 = arith.addi %scan3A_107, %scan3A_108 : i32
      %scan3A_110 = arith.constant 1 : i32
      scf.for %scan3A_226 = %scan3A_107 to %scan3A_109 step %scan3A_110  : i32 {
        %get3A = arith.constant 1 : i32
        %get3A_227 = arith.index_cast %get3A : i32 to index
        %get3A_228 = arith.index_cast %scan3A_226 : i32 to index
        %get3A_229 = arith.constant 0 : index
        %get3A_230 = tpu.vector_load %arg8[%get3A_227, %get3A_228, %get3A_229] {strides = array<i32>} : memref<2x100x128xf32, #tpu.memory_space<vmem>>, vector<1x1x16xf32>,
        %get3A_231 = vector.shape_cast %get3A_230 : vector<1x1x16xf32> to vector<16xf32>
        %add3A_232 = arith.constant 100 : i32
        %add3A_233 = arith.addi %add3A_232, %scan3A_226 : i32
        %get3A_234 = arith.index_cast %add3A_233 : i32 to index
        %get3A_235 = arith.constant 0 : index
        %get3A_236 = tpu.vector_load %arg7[%get3A_234, %get3A_235] {strides = array<i32>} : memref<200x64xf32, #tpu.memory_space<vmem>>, vector<1x16xf32>,
        %get3A_237 = vector.shape_cast %get3A_236 : vector<1x16xf32> to vector<16xf32>
        %add3A_238 = arith.addf %get3A_231, %get3A_237 : vector<16xf32>
        %swap3A = arith.constant 0 : i32
        %swap3A_239 = arith.constant 1 : i32
        %swap3A_240 = arith.index_cast %swap3A : i32 to index
        %swap3A_241 = arith.index_cast %swap3A_239 : i32 to index
        %swap3A_242 = arith.index_cast %scan3A_226 : i32 to index
        %swap3A_243 = arith.constant 0 : index
        %swap3A_244 = tpu.vector_load %arg9[%swap3A_240, %swap3A_241, %swap3A_242, %swap3A_243] {strides = array<i32>} : memref<2x2x100x64xf32, #tpu.memory_space<vmem>>, vector<1x1x1x16xf32>,
        %swap3A_245 = vector.shape_cast %swap3A_244 : vector<1x1x1x16xf32> to vector<16xf32>
        %swap3A_246 = vector.shape_cast %add3A_238 : vector<16xf32> to vector<1x1x1x16xf32>
        tpu.vector_store %arg9[%swap3A_240, %swap3A_241, %swap3A_242, %swap3A_243], %swap3A_246 {strides = array<i32>} : memref<2x2x100x64xf32, #tpu.memory_space<vmem>>, vector<1x1x1x16xf32>,
        %get3A_247 = arith.constant 1 : i32
        %get3A_248 = arith.index_cast %get3A_247 : i32 to index
        %get3A_249 = arith.index_cast %scan3A_226 : i32 to index
        %get3A_250 = arith.constant 16 : index
        %get3A_251 = tpu.vector_load %arg8[%get3A_248, %get3A_249, %get3A_250] {strides = array<i32>} : memref<2x100x128xf32, #tpu.memory_space<vmem>>, vector<1x1x16xf32>,
        %get3A_252 = vector.shape_cast %get3A_251 : vector<1x1x16xf32> to vector<16xf32>
        %add3A_253 = arith.constant 100 : i32
        %add3A_254 = arith.addi %add3A_253, %scan3A_226 : i32
        %get3A_255 = arith.index_cast %add3A_254 : i32 to index
        %get3A_256 = arith.constant 16 : index
        %get3A_257 = tpu.vector_load %arg7[%get3A_255, %get3A_256] {strides = array<i32>} : memref<200x64xf32, #tpu.memory_space<vmem>>, vector<1x16xf32>,
        %get3A_258 = vector.shape_cast %get3A_257 : vector<1x16xf32> to vector<16xf32>
        %add3A_259 = arith.addf %get3A_252, %get3A_258 : vector<16xf32>
        %swap3A_260 = arith.constant 0 : i32
        %swap3A_261 = arith.constant 1 : i32
        %swap3A_262 = arith.index_cast %swap3A_260 : i32 to index
        %swap3A_263 = arith.index_cast %swap3A_261 : i32 to index
        %swap3A_264 = arith.index_cast %scan3A_226 : i32 to index
        %swap3A_265 = arith.constant 16 : index
        %swap3A_266 = tpu.vector_load %arg9[%swap3A_262, %swap3A_263, %swap3A_264, %swap3A_265] {strides = array<i32>} : memref<2x2x100x64xf32, #tpu.memory_space<vmem>>, vector<1x1x1x16xf32>,
        %swap3A_267 = vector.shape_cast %swap3A_266 : vector<1x1x1x16xf32> to vector<16xf32>
        %swap3A_268 = vector.shape_cast %add3A_259 : vector<16xf32> to vector<1x1x1x16xf32>
        tpu.vector_store %arg9[%swap3A_262, %swap3A_263, %swap3A_264, %swap3A_265], %swap3A_268 {strides = array<i32>} : memref<2x2x100x64xf32, #tpu.memory_space<vmem>>, vector<1x1x1x16xf32>,
        %get3A_269 = arith.constant 1 : i32
        %get3A_270 = arith.index_cast %get3A_269 : i32 to index
        %get3A_271 = arith.index_cast %scan3A_226 : i32 to index
        %get3A_272 = arith.constant 32 : index
        %get3A_273 = tpu.vector_load %arg8[%get3A_270, %get3A_271, %get3A_272] {strides = array<i32>} : memref<2x100x128xf32, #tpu.memory_space<vmem>>, vector<1x1x16xf32>,
        %get3A_274 = vector.shape_cast %get3A_273 : vector<1x1x16xf32> to vector<16xf32>
        %add3A_275 = arith.constant 100 : i32
        %add3A_276 = arith.addi %add3A_275, %scan3A_226 : i32
        %get3A_277 = arith.index_cast %add3A_276 : i32 to index
        %get3A_278 = arith.constant 32 : index
        %get3A_279 = tpu.vector_load %arg7[%get3A_277, %get3A_278] {strides = array<i32>} : memref<200x64xf32, #tpu.memory_space<vmem>>, vector<1x16xf32>,
        %get3A_280 = vector.shape_cast %get3A_279 : vector<1x16xf32> to vector<16xf32>
        %add3A_281 = arith.addf %get3A_274, %get3A_280 : vector<16xf32>
        %swap3A_282 = arith.constant 0 : i32
        %swap3A_283 = arith.constant 1 : i32
        %swap3A_284 = arith.index_cast %swap3A_282 : i32 to index
        %swap3A_285 = arith.index_cast %swap3A_283 : i32 to index
        %swap3A_286 = arith.index_cast %scan3A_226 : i32 to index
        %swap3A_287 = arith.constant 32 : index
        %swap3A_288 = tpu.vector_load %arg9[%swap3A_284, %swap3A_285, %swap3A_286, %swap3A_287] {strides = array<i32>} : memref<2x2x100x64xf32, #tpu.memory_space<vmem>>, vector<1x1x1x16xf32>,
        %swap3A_289 = vector.shape_cast %swap3A_288 : vector<1x1x1x16xf32> to vector<16xf32>
        %swap3A_290 = vector.shape_cast %add3A_281 : vector<16xf32> to vector<1x1x1x16xf32>
        tpu.vector_store %arg9[%swap3A_284, %swap3A_285, %swap3A_286, %swap3A_287], %swap3A_290 {strides = array<i32>} : memref<2x2x100x64xf32, #tpu.memory_space<vmem>>, vector<1x1x1x16xf32>,
        %get3A_291 = arith.constant 1 : i32
        %get3A_292 = arith.index_cast %get3A_291 : i32 to index
        %get3A_293 = arith.index_cast %scan3A_226 : i32 to index
        %get3A_294 = arith.constant 48 : index
        %get3A_295 = tpu.vector_load %arg8[%get3A_292, %get3A_293, %get3A_294] {strides = array<i32>} : memref<2x100x128xf32, #tpu.memory_space<vmem>>, vector<1x1x16xf32>,
        %get3A_296 = vector.shape_cast %get3A_295 : vector<1x1x16xf32> to vector<16xf32>
        %add3A_297 = arith.constant 100 : i32
        %add3A_298 = arith.addi %add3A_297, %scan3A_226 : i32
        %get3A_299 = arith.index_cast %add3A_298 : i32 to index
        %get3A_300 = arith.constant 48 : index
        %get3A_301 = tpu.vector_load %arg7[%get3A_299, %get3A_300] {strides = array<i32>} : memref<200x64xf32, #tpu.memory_space<vmem>>, vector<1x16xf32>,
        %get3A_302 = vector.shape_cast %get3A_301 : vector<1x16xf32> to vector<16xf32>
        %add3A_303 = arith.addf %get3A_296, %get3A_302 : vector<16xf32>
        %swap3A_304 = arith.constant 0 : i32
        %swap3A_305 = arith.constant 1 : i32
        %swap3A_306 = arith.index_cast %swap3A_304 : i32 to index
        %swap3A_307 = arith.index_cast %swap3A_305 : i32 to index
        %swap3A_308 = arith.index_cast %scan3A_226 : i32 to index
        %swap3A_309 = arith.constant 48 : index
        %swap3A_310 = tpu.vector_load %arg9[%swap3A_306, %swap3A_307, %swap3A_308, %swap3A_309] {strides = array<i32>} : memref<2x2x100x64xf32, #tpu.memory_space<vmem>>, vector<1x1x1x16xf32>,
        %swap3A_311 = vector.shape_cast %swap3A_310 : vector<1x1x1x16xf32> to vector<16xf32>
        %swap3A_312 = vector.shape_cast %add3A_303 : vector<16xf32> to vector<1x1x1x16xf32>
        tpu.vector_store %arg9[%swap3A_306, %swap3A_307, %swap3A_308, %swap3A_309], %swap3A_312 {strides = array<i32>} : memref<2x2x100x64xf32, #tpu.memory_space<vmem>>, vector<1x1x1x16xf32>,
      }
      %scan3A_111 = arith.constant 100 : i32
      %mul3A_112 = arith.constant 2 : i32
      %mul3A_113 = arith.muli %scan3A_65, %mul3A_112 : i32
      %add3A_114 = arith.constant 0 : i32
      %add3A_115 = arith.addi %mul3A_113, %add3A_114 : i32
      %mul3A_116 = arith.constant 32 : i32
      %mul3A_117 = arith.muli %add3A, %mul3A_116 : i32
      %add3A_118 = arith.addi %mul3A_117, %add3A_115 : i32
      %mul3A_119 = arith.constant 2 : i32
      %mul3A_120 = arith.muli %add3A_118, %mul3A_119 : i32
      %dma_start3A_121 = arith.constant 0 : i32
      %dma_start3A_122 = arith.constant 0 : i32
      %dma_start3A_123 = arith.constant 0 : i32
      %dma_start3A_124 = arith.constant 0 : i32
      %dma_start3A_125 = tpu.memref_slice %arg9[%dma_start3A_121, %dma_start3A_122, %dma_start3A_123, %dma_start3A_124] : memref<2x2x100x64xf32, #tpu.memory_space<vmem>> -> memref<1x2x100x64xf32, #tpu.memory_space<vmem>>
      %dma_start3A_126 = tpu.memref_squeeze %dma_start3A_125 : memref<1x2x100x64xf32, #tpu.memory_space<vmem>> -> memref<2x100x64xf32, #tpu.memory_space<vmem>>
      %dma_start3A_127 = arith.constant 0 : i32
      %dma_start3A_128 = arith.constant 0 : i32
      %dma_start3A_129 = tpu.memref_slice %arg5[%mul3A_120, %dma_start3A_127, %dma_start3A_128] : memref<2048x100x64xf32, #tpu.memory_space<hbm>> -> memref<2x100x64xf32, #tpu.memory_space<hbm>>
      %dma_start3A_130 = arith.constant 0 : i32
      %dma_start3A_131 = arith.constant 0 : i32
      %dma_start3A_132 = tpu.memref_slice %arg5[%mul3A_120, %dma_start3A_130, %dma_start3A_131] : memref<2048x100x64xf32, #tpu.memory_space<hbm>> -> memref<2x100x64xf32, #tpu.memory_space<hbm>>
      %dma_start3A_133 = arith.constant 0 : i32
      %dma_start3A_134 = arith.constant 0 : i32
      %dma_start3A_135 = arith.constant 0 : i32
      %dma_start3A_136 = tpu.memref_slice %arg9[%dma_start3A_121, %dma_start3A_133, %dma_start3A_134, %dma_start3A_135] : memref<2x2x100x64xf32, #tpu.memory_space<vmem>> -> memref<1x2x100x64xf32, #tpu.memory_space<vmem>>
      %dma_start3A_137 = tpu.memref_squeeze %dma_start3A_136 : memref<1x2x100x64xf32, #tpu.memory_space<vmem>> -> memref<2x100x64xf32, #tpu.memory_space<vmem>>
      tpu.enqueue_dma source(%dma_start3A_137 : memref<2x100x64xf32, #tpu.memory_space<vmem>>) target(%dma_start3A_132 : memref<2x100x64xf32, #tpu.memory_space<hbm>>) target_semaphore(%arg12 : memref<!tpu.dma_semaphore, #tpu.memory_space<semaphore_mem>>)
      %add3A_138 = arith.constant 2 : i32
      %add3A_139 = arith.addi %add3A_95, %add3A_138 : i32
      %lt3A_140 = arith.constant 64 : i32
      %lt3A_141 = arith.cmpi slt, %add3A_139, %lt3A_140 : i32
      %convert_element_type3A_142 = arith.extui %lt3A_141 : i1 to i32
      %cond3A_143 = arith.constant 0 : i32
      %cond3A_144 = arith.cmpi ne, %convert_element_type3A_142, %cond3A_143 : i32
      scf.if %cond3A_144 {
        %dma_start3A_226 = arith.constant 1 : i32
        %dma_start3A_227 = arith.constant 0 : i32
        %dma_start3A_228 = arith.constant 0 : i32
        %dma_start3A_229 = tpu.memref_slice %arg8[%dma_start3A_226, %dma_start3A_227, %dma_start3A_228] : memref<2x100x128xf32, #tpu.memory_space<vmem>> -> memref<1x100x128xf32, #tpu.memory_space<vmem>>
        %dma_start3A_230 = tpu.memref_squeeze %dma_start3A_229 : memref<1x100x128xf32, #tpu.memory_space<vmem>> -> memref<100x128xf32, #tpu.memory_space<vmem>>
        %dma_start3A_231 = arith.constant 0 : i32
        %dma_start3A_232 = tpu.memref_slice %arg6[%add3A_139, %dma_start3A_231] : memref<64x100xi32, #tpu.memory_space<vmem>> -> memref<1x100xi32, #tpu.memory_space<vmem>>
        %dma_start3A_233 = tpu.memref_squeeze %dma_start3A_232 : memref<1x100xi32, #tpu.memory_space<vmem>> -> memref<100xi32, #tpu.memory_space<vmem>>
        %dma_start3A_234 = arith.constant 0 : i32
        %dma_start3A_235 = arith.constant 0 : i32
        %dma_start3A_236 = tpu.memref_slice %arg3[%dma_start3A_234, %dma_start3A_235] : memref<100000x128xf32, #tpu.memory_space<hbm>> -> memref<100000x128xf32, #tpu.memory_space<hbm>>
        tpu.enqueue_indirect_dma source(%dma_start3A_236 : memref<100000x128xf32, #tpu.memory_space<hbm>>) target(%dma_start3A_230 : memref<100x128xf32, #tpu.memory_space<vmem>>) offsets(%dma_start3A_233 : memref<100xi32, #tpu.memory_space<vmem>>) semaphore(%arg11 : memref<!tpu.dma_semaphore, #tpu.memory_space<semaphore_mem>>)
      } else {
      }
      %add3A_145 = arith.constant 2 : i32
      %add3A_146 = arith.addi %mul3A_67, %add3A_145 : i32
      %dma_wait3A_147 = arith.constant 0 : i32
      %dma_wait3A_148 = arith.constant 0 : i32
      %dma_wait3A_149 = arith.constant 0 : i32
      %dma_wait3A_150 = tpu.memref_slice %arg8[%dma_wait3A_147, %dma_wait3A_148, %dma_wait3A_149] : memref<2x100x128xf32, #tpu.memory_space<vmem>> -> memref<1x100x128xf32, #tpu.memory_space<vmem>>
      %dma_wait3A_151 = tpu.memref_squeeze %dma_wait3A_150 : memref<1x100x128xf32, #tpu.memory_space<vmem>> -> memref<100x128xf32, #tpu.memory_space<vmem>>
      %dma_wait3A_152 = arith.constant 0 : i32
      %dma_wait3A_153 = tpu.memref_slice %arg6[%add3A_146, %dma_wait3A_152] : memref<64x100xi32, #tpu.memory_space<vmem>> -> memref<1x100xi32, #tpu.memory_space<vmem>>
      %dma_wait3A_154 = tpu.memref_squeeze %dma_wait3A_153 : memref<1x100xi32, #tpu.memory_space<vmem>> -> memref<100xi32, #tpu.memory_space<vmem>>
      %dma_wait3A_155 = arith.constant 0 : i32
      %dma_wait3A_156 = arith.constant 0 : i32
      %dma_wait3A_157 = tpu.memref_slice %arg3[%dma_wait3A_155, %dma_wait3A_156] : memref<100000x128xf32, #tpu.memory_space<hbm>> -> memref<100000x128xf32, #tpu.memory_space<hbm>>
      tpu.wait_indirect_dma semaphore(%arg10 : memref<!tpu.dma_semaphore, #tpu.memory_space<semaphore_mem>>) src(%dma_wait3A_157 : memref<100000x128xf32, #tpu.memory_space<hbm>>) dst(%dma_wait3A_151 : memref<100x128xf32, #tpu.memory_space<vmem>>)
      %ge3A_158 = arith.constant 1 : i32
      %ge3A_159 = arith.cmpi sge, %scan3A_65, %ge3A_158 : i32
      %convert_element_type3A_160 = arith.extui %ge3A_159 : i1 to i32
      %cond3A_161 = arith.constant 0 : i32
      %cond3A_162 = arith.cmpi ne, %convert_element_type3A_160, %cond3A_161 : i32
      scf.if %cond3A_162 {
        %dma_wait3A_226 = arith.constant 1 : i32
        %dma_wait3A_227 = arith.constant 0 : i32
        %dma_wait3A_228 = arith.constant 0 : i32
        %dma_wait3A_229 = arith.constant 0 : i32
        %dma_wait3A_230 = tpu.memref_slice %arg9[%dma_wait3A_226, %dma_wait3A_227, %dma_wait3A_228, %dma_wait3A_229] : memref<2x2x100x64xf32, #tpu.memory_space<vmem>> -> memref<1x2x100x64xf32, #tpu.memory_space<vmem>>
        %dma_wait3A_231 = tpu.memref_squeeze %dma_wait3A_230 : memref<1x2x100x64xf32, #tpu.memory_space<vmem>> -> memref<2x100x64xf32, #tpu.memory_space<vmem>>
        %dma_wait3A_232 = arith.constant 0 : i32
        %dma_wait3A_233 = arith.constant 0 : i32
        %dma_wait3A_234 = arith.constant 0 : i32
        %dma_wait3A_235 = tpu.memref_slice %arg5[%dma_wait3A_232, %dma_wait3A_233, %dma_wait3A_234] : memref<2048x100x64xf32, #tpu.memory_space<hbm>> -> memref<2x100x64xf32, #tpu.memory_space<hbm>>
        %dma_wait3A_236 = arith.constant 0 : i32
        %dma_wait3A_237 = arith.constant 0 : i32
        %dma_wait3A_238 = arith.constant 0 : i32
        %dma_wait3A_239 = tpu.memref_slice %arg5[%dma_wait3A_236, %dma_wait3A_237, %dma_wait3A_238] : memref<2048x100x64xf32, #tpu.memory_space<hbm>> -> memref<2x100x64xf32, #tpu.memory_space<hbm>>
        %dma_wait3A_240 = arith.constant 0 : i32
        %dma_wait3A_241 = arith.constant 0 : i32
        %dma_wait3A_242 = arith.constant 0 : i32
        %dma_wait3A_243 = tpu.memref_slice %arg9[%dma_wait3A_226, %dma_wait3A_240, %dma_wait3A_241, %dma_wait3A_242] : memref<2x2x100x64xf32, #tpu.memory_space<vmem>> -> memref<1x2x100x64xf32, #tpu.memory_space<vmem>>
        %dma_wait3A_244 = tpu.memref_squeeze %dma_wait3A_243 : memref<1x2x100x64xf32, #tpu.memory_space<vmem>> -> memref<2x100x64xf32, #tpu.memory_space<vmem>>
        tpu.wait_dma2 semaphore(%arg13 : memref<!tpu.dma_semaphore, #tpu.memory_space<semaphore_mem>>) src(%dma_wait3A_244 : memref<2x100x64xf32, #tpu.memory_space<vmem>>) dst(%dma_wait3A_239 : memref<2x100x64xf32, #tpu.memory_space<hbm>>)
      } else {
      }
      %scan3A_163 = arith.constant 0 : i32
      %scan3A_164 = arith.constant 100 : i32
      %scan3A_165 = arith.addi %scan3A_163, %scan3A_164 : i32
      %scan3A_166 = arith.constant 1 : i32
      scf.for %scan3A_226 = %scan3A_163 to %scan3A_165 step %scan3A_166  : i32 {
        %get3A = arith.constant 0 : i32
        %get3A_227 = arith.index_cast %get3A : i32 to index
        %get3A_228 = arith.index_cast %scan3A_226 : i32 to index
        %get3A_229 = arith.constant 0 : index
        %get3A_230 = tpu.vector_load %arg8[%get3A_227, %get3A_228, %get3A_229] {strides = array<i32>} : memref<2x100x128xf32, #tpu.memory_space<vmem>>, vector<1x1x16xf32>,
        %get3A_231 = vector.shape_cast %get3A_230 : vector<1x1x16xf32> to vector<16xf32>
        %add3A_232 = arith.constant 0 : i32
        %add3A_233 = arith.addi %add3A_232, %scan3A_226 : i32
        %get3A_234 = arith.index_cast %add3A_233 : i32 to index
        %get3A_235 = arith.constant 0 : index
        %get3A_236 = tpu.vector_load %arg7[%get3A_234, %get3A_235] {strides = array<i32>} : memref<200x64xf32, #tpu.memory_space<vmem>>, vector<1x16xf32>,
        %get3A_237 = vector.shape_cast %get3A_236 : vector<1x16xf32> to vector<16xf32>
        %add3A_238 = arith.addf %get3A_231, %get3A_237 : vector<16xf32>
        %swap3A = arith.constant 1 : i32
        %swap3A_239 = arith.constant 0 : i32
        %swap3A_240 = arith.index_cast %swap3A : i32 to index
        %swap3A_241 = arith.index_cast %swap3A_239 : i32 to index
        %swap3A_242 = arith.index_cast %scan3A_226 : i32 to index
        %swap3A_243 = arith.constant 0 : index
        %swap3A_244 = tpu.vector_load %arg9[%swap3A_240, %swap3A_241, %swap3A_242, %swap3A_243] {strides = array<i32>} : memref<2x2x100x64xf32, #tpu.memory_space<vmem>>, vector<1x1x1x16xf32>,
        %swap3A_245 = vector.shape_cast %swap3A_244 : vector<1x1x1x16xf32> to vector<16xf32>
        %swap3A_246 = vector.shape_cast %add3A_238 : vector<16xf32> to vector<1x1x1x16xf32>
        tpu.vector_store %arg9[%swap3A_240, %swap3A_241, %swap3A_242, %swap3A_243], %swap3A_246 {strides = array<i32>} : memref<2x2x100x64xf32, #tpu.memory_space<vmem>>, vector<1x1x1x16xf32>,
        %get3A_247 = arith.constant 0 : i32
        %get3A_248 = arith.index_cast %get3A_247 : i32 to index
        %get3A_249 = arith.index_cast %scan3A_226 : i32 to index
        %get3A_250 = arith.constant 16 : index
        %get3A_251 = tpu.vector_load %arg8[%get3A_248, %get3A_249, %get3A_250] {strides = array<i32>} : memref<2x100x128xf32, #tpu.memory_space<vmem>>, vector<1x1x16xf32>,
        %get3A_252 = vector.shape_cast %get3A_251 : vector<1x1x16xf32> to vector<16xf32>
        %add3A_253 = arith.constant 0 : i32
        %add3A_254 = arith.addi %add3A_253, %scan3A_226 : i32
        %get3A_255 = arith.index_cast %add3A_254 : i32 to index
        %get3A_256 = arith.constant 16 : index
        %get3A_257 = tpu.vector_load %arg7[%get3A_255, %get3A_256] {strides = array<i32>} : memref<200x64xf32, #tpu.memory_space<vmem>>, vector<1x16xf32>,
        %get3A_258 = vector.shape_cast %get3A_257 : vector<1x16xf32> to vector<16xf32>
        %add3A_259 = arith.addf %get3A_252, %get3A_258 : vector<16xf32>
        %swap3A_260 = arith.constant 1 : i32
        %swap3A_261 = arith.constant 0 : i32
        %swap3A_262 = arith.index_cast %swap3A_260 : i32 to index
        %swap3A_263 = arith.index_cast %swap3A_261 : i32 to index
        %swap3A_264 = arith.index_cast %scan3A_226 : i32 to index
        %swap3A_265 = arith.constant 16 : index
        %swap3A_266 = tpu.vector_load %arg9[%swap3A_262, %swap3A_263, %swap3A_264, %swap3A_265] {strides = array<i32>} : memref<2x2x100x64xf32, #tpu.memory_space<vmem>>, vector<1x1x1x16xf32>,
        %swap3A_267 = vector.shape_cast %swap3A_266 : vector<1x1x1x16xf32> to vector<16xf32>
        %swap3A_268 = vector.shape_cast %add3A_259 : vector<16xf32> to vector<1x1x1x16xf32>
        tpu.vector_store %arg9[%swap3A_262, %swap3A_263, %swap3A_264, %swap3A_265], %swap3A_268 {strides = array<i32>} : memref<2x2x100x64xf32, #tpu.memory_space<vmem>>, vector<1x1x1x16xf32>,
        %get3A_269 = arith.constant 0 : i32
        %get3A_270 = arith.index_cast %get3A_269 : i32 to index
        %get3A_271 = arith.index_cast %scan3A_226 : i32 to index
        %get3A_272 = arith.constant 32 : index
        %get3A_273 = tpu.vector_load %arg8[%get3A_270, %get3A_271, %get3A_272] {strides = array<i32>} : memref<2x100x128xf32, #tpu.memory_space<vmem>>, vector<1x1x16xf32>,
        %get3A_274 = vector.shape_cast %get3A_273 : vector<1x1x16xf32> to vector<16xf32>
        %add3A_275 = arith.constant 0 : i32
        %add3A_276 = arith.addi %add3A_275, %scan3A_226 : i32
        %get3A_277 = arith.index_cast %add3A_276 : i32 to index
        %get3A_278 = arith.constant 32 : index
        %get3A_279 = tpu.vector_load %arg7[%get3A_277, %get3A_278] {strides = array<i32>} : memref<200x64xf32, #tpu.memory_space<vmem>>, vector<1x16xf32>,
        %get3A_280 = vector.shape_cast %get3A_279 : vector<1x16xf32> to vector<16xf32>
        %add3A_281 = arith.addf %get3A_274, %get3A_280 : vector<16xf32>
        %swap3A_282 = arith.constant 1 : i32
        %swap3A_283 = arith.constant 0 : i32
        %swap3A_284 = arith.index_cast %swap3A_282 : i32 to index
        %swap3A_285 = arith.index_cast %swap3A_283 : i32 to index
        %swap3A_286 = arith.index_cast %scan3A_226 : i32 to index
        %swap3A_287 = arith.constant 32 : index
        %swap3A_288 = tpu.vector_load %arg9[%swap3A_284, %swap3A_285, %swap3A_286, %swap3A_287] {strides = array<i32>} : memref<2x2x100x64xf32, #tpu.memory_space<vmem>>, vector<1x1x1x16xf32>,
        %swap3A_289 = vector.shape_cast %swap3A_288 : vector<1x1x1x16xf32> to vector<16xf32>
        %swap3A_290 = vector.shape_cast %add3A_281 : vector<16xf32> to vector<1x1x1x16xf32>
        tpu.vector_store %arg9[%swap3A_284, %swap3A_285, %swap3A_286, %swap3A_287], %swap3A_290 {strides = array<i32>} : memref<2x2x100x64xf32, #tpu.memory_space<vmem>>, vector<1x1x1x16xf32>,
        %get3A_291 = arith.constant 0 : i32
        %get3A_292 = arith.index_cast %get3A_291 : i32 to index
        %get3A_293 = arith.index_cast %scan3A_226 : i32 to index
        %get3A_294 = arith.constant 48 : index
        %get3A_295 = tpu.vector_load %arg8[%get3A_292, %get3A_293, %get3A_294] {strides = array<i32>} : memref<2x100x128xf32, #tpu.memory_space<vmem>>, vector<1x1x16xf32>,
        %get3A_296 = vector.shape_cast %get3A_295 : vector<1x1x16xf32> to vector<16xf32>
        %add3A_297 = arith.constant 0 : i32
        %add3A_298 = arith.addi %add3A_297, %scan3A_226 : i32
        %get3A_299 = arith.index_cast %add3A_298 : i32 to index
        %get3A_300 = arith.constant 48 : index
        %get3A_301 = tpu.vector_load %arg7[%get3A_299, %get3A_300] {strides = array<i32>} : memref<200x64xf32, #tpu.memory_space<vmem>>, vector<1x16xf32>,
        %get3A_302 = vector.shape_cast %get3A_301 : vector<1x16xf32> to vector<16xf32>
        %add3A_303 = arith.addf %get3A_296, %get3A_302 : vector<16xf32>
        %swap3A_304 = arith.constant 1 : i32
        %swap3A_305 = arith.constant 0 : i32
        %swap3A_306 = arith.index_cast %swap3A_304 : i32 to index
        %swap3A_307 = arith.index_cast %swap3A_305 : i32 to index
        %swap3A_308 = arith.index_cast %scan3A_226 : i32 to index
        %swap3A_309 = arith.constant 48 : index
        %swap3A_310 = tpu.vector_load %arg9[%swap3A_306, %swap3A_307, %swap3A_308, %swap3A_309] {strides = array<i32>} : memref<2x2x100x64xf32, #tpu.memory_space<vmem>>, vector<1x1x1x16xf32>,
        %swap3A_311 = vector.shape_cast %swap3A_310 : vector<1x1x1x16xf32> to vector<16xf32>
        %swap3A_312 = vector.shape_cast %add3A_303 : vector<16xf32> to vector<1x1x1x16xf32>
        tpu.vector_store %arg9[%swap3A_306, %swap3A_307, %swap3A_308, %swap3A_309], %swap3A_312 {strides = array<i32>} : memref<2x2x100x64xf32, #tpu.memory_space<vmem>>, vector<1x1x1x16xf32>,
      }
      %scan3A_167 = arith.constant 100 : i32
      %add3A_168 = arith.constant 2 : i32
      %add3A_169 = arith.addi %add3A_146, %add3A_168 : i32
      %lt3A_170 = arith.constant 64 : i32
      %lt3A_171 = arith.cmpi slt, %add3A_169, %lt3A_170 : i32
      %convert_element_type3A_172 = arith.extui %lt3A_171 : i1 to i32
      %cond3A_173 = arith.constant 0 : i32
      %cond3A_174 = arith.cmpi ne, %convert_element_type3A_172, %cond3A_173 : i32
      scf.if %cond3A_174 {
        %dma_start3A_226 = arith.constant 0 : i32
        %dma_start3A_227 = arith.constant 0 : i32
        %dma_start3A_228 = arith.constant 0 : i32
        %dma_start3A_229 = tpu.memref_slice %arg8[%dma_start3A_226, %dma_start3A_227, %dma_start3A_228] : memref<2x100x128xf32, #tpu.memory_space<vmem>> -> memref<1x100x128xf32, #tpu.memory_space<vmem>>
        %dma_start3A_230 = tpu.memref_squeeze %dma_start3A_229 : memref<1x100x128xf32, #tpu.memory_space<vmem>> -> memref<100x128xf32, #tpu.memory_space<vmem>>
        %dma_start3A_231 = arith.constant 0 : i32
        %dma_start3A_232 = tpu.memref_slice %arg6[%add3A_169, %dma_start3A_231] : memref<64x100xi32, #tpu.memory_space<vmem>> -> memref<1x100xi32, #tpu.memory_space<vmem>>
        %dma_start3A_233 = tpu.memref_squeeze %dma_start3A_232 : memref<1x100xi32, #tpu.memory_space<vmem>> -> memref<100xi32, #tpu.memory_space<vmem>>
        %dma_start3A_234 = arith.constant 0 : i32
        %dma_start3A_235 = arith.constant 0 : i32
        %dma_start3A_236 = tpu.memref_slice %arg3[%dma_start3A_234, %dma_start3A_235] : memref<100000x128xf32, #tpu.memory_space<hbm>> -> memref<100000x128xf32, #tpu.memory_space<hbm>>
        tpu.enqueue_indirect_dma source(%dma_start3A_236 : memref<100000x128xf32, #tpu.memory_space<hbm>>) target(%dma_start3A_230 : memref<100x128xf32, #tpu.memory_space<vmem>>) offsets(%dma_start3A_233 : memref<100xi32, #tpu.memory_space<vmem>>) semaphore(%arg10 : memref<!tpu.dma_semaphore, #tpu.memory_space<semaphore_mem>>)
      } else {
      }
      %add3A_175 = arith.constant 3 : i32
      %add3A_176 = arith.addi %mul3A_67, %add3A_175 : i32
      %dma_wait3A_177 = arith.constant 1 : i32
      %dma_wait3A_178 = arith.constant 0 : i32
      %dma_wait3A_179 = arith.constant 0 : i32
      %dma_wait3A_180 = tpu.memref_slice %arg8[%dma_wait3A_177, %dma_wait3A_178, %dma_wait3A_179] : memref<2x100x128xf32, #tpu.memory_space<vmem>> -> memref<1x100x128xf32, #tpu.memory_space<vmem>>
      %dma_wait3A_181 = tpu.memref_squeeze %dma_wait3A_180 : memref<1x100x128xf32, #tpu.memory_space<vmem>> -> memref<100x128xf32, #tpu.memory_space<vmem>>
      %dma_wait3A_182 = arith.constant 0 : i32
      %dma_wait3A_183 = tpu.memref_slice %arg6[%add3A_176, %dma_wait3A_182] : memref<64x100xi32, #tpu.memory_space<vmem>> -> memref<1x100xi32, #tpu.memory_space<vmem>>
      %dma_wait3A_184 = tpu.memref_squeeze %dma_wait3A_183 : memref<1x100xi32, #tpu.memory_space<vmem>> -> memref<100xi32, #tpu.memory_space<vmem>>
      %dma_wait3A_185 = arith.constant 0 : i32
      %dma_wait3A_186 = arith.constant 0 : i32
      %dma_wait3A_187 = tpu.memref_slice %arg3[%dma_wait3A_185, %dma_wait3A_186] : memref<100000x128xf32, #tpu.memory_space<hbm>> -> memref<100000x128xf32, #tpu.memory_space<hbm>>
      tpu.wait_indirect_dma semaphore(%arg11 : memref<!tpu.dma_semaphore, #tpu.memory_space<semaphore_mem>>) src(%dma_wait3A_187 : memref<100000x128xf32, #tpu.memory_space<hbm>>) dst(%dma_wait3A_181 : memref<100x128xf32, #tpu.memory_space<vmem>>)
      %scan3A_188 = arith.constant 0 : i32
      %scan3A_189 = arith.constant 100 : i32
      %scan3A_190 = arith.addi %scan3A_188, %scan3A_189 : i32
      %scan3A_191 = arith.constant 1 : i32
      scf.for %scan3A_226 = %scan3A_188 to %scan3A_190 step %scan3A_191  : i32 {
        %get3A = arith.constant 1 : i32
        %get3A_227 = arith.index_cast %get3A : i32 to index
        %get3A_228 = arith.index_cast %scan3A_226 : i32 to index
        %get3A_229 = arith.constant 0 : index
        %get3A_230 = tpu.vector_load %arg8[%get3A_227, %get3A_228, %get3A_229] {strides = array<i32>} : memref<2x100x128xf32, #tpu.memory_space<vmem>>, vector<1x1x16xf32>,
        %get3A_231 = vector.shape_cast %get3A_230 : vector<1x1x16xf32> to vector<16xf32>
        %add3A_232 = arith.constant 100 : i32
        %add3A_233 = arith.addi %add3A_232, %scan3A_226 : i32
        %get3A_234 = arith.index_cast %add3A_233 : i32 to index
        %get3A_235 = arith.constant 0 : index
        %get3A_236 = tpu.vector_load %arg7[%get3A_234, %get3A_235] {strides = array<i32>} : memref<200x64xf32, #tpu.memory_space<vmem>>, vector<1x16xf32>,
        %get3A_237 = vector.shape_cast %get3A_236 : vector<1x16xf32> to vector<16xf32>
        %add3A_238 = arith.addf %get3A_231, %get3A_237 : vector<16xf32>
        %swap3A = arith.constant 1 : i32
        %swap3A_239 = arith.constant 1 : i32
        %swap3A_240 = arith.index_cast %swap3A : i32 to index
        %swap3A_241 = arith.index_cast %swap3A_239 : i32 to index
        %swap3A_242 = arith.index_cast %scan3A_226 : i32 to index
        %swap3A_243 = arith.constant 0 : index
        %swap3A_244 = tpu.vector_load %arg9[%swap3A_240, %swap3A_241, %swap3A_242, %swap3A_243] {strides = array<i32>} : memref<2x2x100x64xf32, #tpu.memory_space<vmem>>, vector<1x1x1x16xf32>,
        %swap3A_245 = vector.shape_cast %swap3A_244 : vector<1x1x1x16xf32> to vector<16xf32>
        %swap3A_246 = vector.shape_cast %add3A_238 : vector<16xf32> to vector<1x1x1x16xf32>
        tpu.vector_store %arg9[%swap3A_240, %swap3A_241, %swap3A_242, %swap3A_243], %swap3A_246 {strides = array<i32>} : memref<2x2x100x64xf32, #tpu.memory_space<vmem>>, vector<1x1x1x16xf32>,
        %get3A_247 = arith.constant 1 : i32
        %get3A_248 = arith.index_cast %get3A_247 : i32 to index
        %get3A_249 = arith.index_cast %scan3A_226 : i32 to index
        %get3A_250 = arith.constant 16 : index
        %get3A_251 = tpu.vector_load %arg8[%get3A_248, %get3A_249, %get3A_250] {strides = array<i32>} : memref<2x100x128xf32, #tpu.memory_space<vmem>>, vector<1x1x16xf32>,
        %get3A_252 = vector.shape_cast %get3A_251 : vector<1x1x16xf32> to vector<16xf32>
        %add3A_253 = arith.constant 100 : i32
        %add3A_254 = arith.addi %add3A_253, %scan3A_226 : i32
        %get3A_255 = arith.index_cast %add3A_254 : i32 to index
        %get3A_256 = arith.constant 16 : index
        %get3A_257 = tpu.vector_load %arg7[%get3A_255, %get3A_256] {strides = array<i32>} : memref<200x64xf32, #tpu.memory_space<vmem>>, vector<1x16xf32>,
        %get3A_258 = vector.shape_cast %get3A_257 : vector<1x16xf32> to vector<16xf32>
        %add3A_259 = arith.addf %get3A_252, %get3A_258 : vector<16xf32>
        %swap3A_260 = arith.constant 1 : i32
        %swap3A_261 = arith.constant 1 : i32
        %swap3A_262 = arith.index_cast %swap3A_260 : i32 to index
        %swap3A_263 = arith.index_cast %swap3A_261 : i32 to index
        %swap3A_264 = arith.index_cast %scan3A_226 : i32 to index
        %swap3A_265 = arith.constant 16 : index
        %swap3A_266 = tpu.vector_load %arg9[%swap3A_262, %swap3A_263, %swap3A_264, %swap3A_265] {strides = array<i32>} : memref<2x2x100x64xf32, #tpu.memory_space<vmem>>, vector<1x1x1x16xf32>,
        %swap3A_267 = vector.shape_cast %swap3A_266 : vector<1x1x1x16xf32> to vector<16xf32>
        %swap3A_268 = vector.shape_cast %add3A_259 : vector<16xf32> to vector<1x1x1x16xf32>
        tpu.vector_store %arg9[%swap3A_262, %swap3A_263, %swap3A_264, %swap3A_265], %swap3A_268 {strides = array<i32>} : memref<2x2x100x64xf32, #tpu.memory_space<vmem>>, vector<1x1x1x16xf32>,
        %get3A_269 = arith.constant 1 : i32
        %get3A_270 = arith.index_cast %get3A_269 : i32 to index
        %get3A_271 = arith.index_cast %scan3A_226 : i32 to index
        %get3A_272 = arith.constant 32 : index
        %get3A_273 = tpu.vector_load %arg8[%get3A_270, %get3A_271, %get3A_272] {strides = array<i32>} : memref<2x100x128xf32, #tpu.memory_space<vmem>>, vector<1x1x16xf32>,
        %get3A_274 = vector.shape_cast %get3A_273 : vector<1x1x16xf32> to vector<16xf32>
        %add3A_275 = arith.constant 100 : i32
        %add3A_276 = arith.addi %add3A_275, %scan3A_226 : i32
        %get3A_277 = arith.index_cast %add3A_276 : i32 to index
        %get3A_278 = arith.constant 32 : index
        %get3A_279 = tpu.vector_load %arg7[%get3A_277, %get3A_278] {strides = array<i32>} : memref<200x64xf32, #tpu.memory_space<vmem>>, vector<1x16xf32>,
        %get3A_280 = vector.shape_cast %get3A_279 : vector<1x16xf32> to vector<16xf32>
        %add3A_281 = arith.addf %get3A_274, %get3A_280 : vector<16xf32>
        %swap3A_282 = arith.constant 1 : i32
        %swap3A_283 = arith.constant 1 : i32
        %swap3A_284 = arith.index_cast %swap3A_282 : i32 to index
        %swap3A_285 = arith.index_cast %swap3A_283 : i32 to index
        %swap3A_286 = arith.index_cast %scan3A_226 : i32 to index
        %swap3A_287 = arith.constant 32 : index
        %swap3A_288 = tpu.vector_load %arg9[%swap3A_284, %swap3A_285, %swap3A_286, %swap3A_287] {strides = array<i32>} : memref<2x2x100x64xf32, #tpu.memory_space<vmem>>, vector<1x1x1x16xf32>,
        %swap3A_289 = vector.shape_cast %swap3A_288 : vector<1x1x1x16xf32> to vector<16xf32>
        %swap3A_290 = vector.shape_cast %add3A_281 : vector<16xf32> to vector<1x1x1x16xf32>
        tpu.vector_store %arg9[%swap3A_284, %swap3A_285, %swap3A_286, %swap3A_287], %swap3A_290 {strides = array<i32>} : memref<2x2x100x64xf32, #tpu.memory_space<vmem>>, vector<1x1x1x16xf32>,
        %get3A_291 = arith.constant 1 : i32
        %get3A_292 = arith.index_cast %get3A_291 : i32 to index
        %get3A_293 = arith.index_cast %scan3A_226 : i32 to index
        %get3A_294 = arith.constant 48 : index
        %get3A_295 = tpu.vector_load %arg8[%get3A_292, %get3A_293, %get3A_294] {strides = array<i32>} : memref<2x100x128xf32, #tpu.memory_space<vmem>>, vector<1x1x16xf32>,
        %get3A_296 = vector.shape_cast %get3A_295 : vector<1x1x16xf32> to vector<16xf32>
        %add3A_297 = arith.constant 100 : i32
        %add3A_298 = arith.addi %add3A_297, %scan3A_226 : i32
        %get3A_299 = arith.index_cast %add3A_298 : i32 to index
        %get3A_300 = arith.constant 48 : index
        %get3A_301 = tpu.vector_load %arg7[%get3A_299, %get3A_300] {strides = array<i32>} : memref<200x64xf32, #tpu.memory_space<vmem>>, vector<1x16xf32>,
        %get3A_302 = vector.shape_cast %get3A_301 : vector<1x16xf32> to vector<16xf32>
        %add3A_303 = arith.addf %get3A_296, %get3A_302 : vector<16xf32>
        %swap3A_304 = arith.constant 1 : i32
        %swap3A_305 = arith.constant 1 : i32
        %swap3A_306 = arith.index_cast %swap3A_304 : i32 to index
        %swap3A_307 = arith.index_cast %swap3A_305 : i32 to index
        %swap3A_308 = arith.index_cast %scan3A_226 : i32 to index
        %swap3A_309 = arith.constant 48 : index
        %swap3A_310 = tpu.vector_load %arg9[%swap3A_306, %swap3A_307, %swap3A_308, %swap3A_309] {strides = array<i32>} : memref<2x2x100x64xf32, #tpu.memory_space<vmem>>, vector<1x1x1x16xf32>,
        %swap3A_311 = vector.shape_cast %swap3A_310 : vector<1x1x1x16xf32> to vector<16xf32>
        %swap3A_312 = vector.shape_cast %add3A_303 : vector<16xf32> to vector<1x1x1x16xf32>
        tpu.vector_store %arg9[%swap3A_306, %swap3A_307, %swap3A_308, %swap3A_309], %swap3A_312 {strides = array<i32>} : memref<2x2x100x64xf32, #tpu.memory_space<vmem>>, vector<1x1x1x16xf32>,
      }
      %scan3A_192 = arith.constant 100 : i32
      %mul3A_193 = arith.constant 2 : i32
      %mul3A_194 = arith.muli %scan3A_65, %mul3A_193 : i32
      %add3A_195 = arith.constant 1 : i32
      %add3A_196 = arith.addi %mul3A_194, %add3A_195 : i32
      %mul3A_197 = arith.constant 32 : i32
      %mul3A_198 = arith.muli %add3A, %mul3A_197 : i32
      %add3A_199 = arith.addi %mul3A_198, %add3A_196 : i32
      %mul3A_200 = arith.constant 2 : i32
      %mul3A_201 = arith.muli %add3A_199, %mul3A_200 : i32
      %dma_start3A_202 = arith.constant 1 : i32
      %dma_start3A_203 = arith.constant 0 : i32
      %dma_start3A_204 = arith.constant 0 : i32
      %dma_start3A_205 = arith.constant 0 : i32
      %dma_start3A_206 = tpu.memref_slice %arg9[%dma_start3A_202, %dma_start3A_203, %dma_start3A_204, %dma_start3A_205] : memref<2x2x100x64xf32, #tpu.memory_space<vmem>> -> memref<1x2x100x64xf32, #tpu.memory_space<vmem>>
      %dma_start3A_207 = tpu.memref_squeeze %dma_start3A_206 : memref<1x2x100x64xf32, #tpu.memory_space<vmem>> -> memref<2x100x64xf32, #tpu.memory_space<vmem>>
      %dma_start3A_208 = arith.constant 0 : i32
      %dma_start3A_209 = arith.constant 0 : i32
      %dma_start3A_210 = tpu.memref_slice %arg5[%mul3A_201, %dma_start3A_208, %dma_start3A_209] : memref<2048x100x64xf32, #tpu.memory_space<hbm>> -> memref<2x100x64xf32, #tpu.memory_space<hbm>>
      %dma_start3A_211 = arith.constant 0 : i32
      %dma_start3A_212 = arith.constant 0 : i32
      %dma_start3A_213 = tpu.memref_slice %arg5[%mul3A_201, %dma_start3A_211, %dma_start3A_212] : memref<2048x100x64xf32, #tpu.memory_space<hbm>> -> memref<2x100x64xf32, #tpu.memory_space<hbm>>
      %dma_start3A_214 = arith.constant 0 : i32
      %dma_start3A_215 = arith.constant 0 : i32
      %dma_start3A_216 = arith.constant 0 : i32
      %dma_start3A_217 = tpu.memref_slice %arg9[%dma_start3A_202, %dma_start3A_214, %dma_start3A_215, %dma_start3A_216] : memref<2x2x100x64xf32, #tpu.memory_space<vmem>> -> memref<1x2x100x64xf32, #tpu.memory_space<vmem>>
      %dma_start3A_218 = tpu.memref_squeeze %dma_start3A_217 : memref<1x2x100x64xf32, #tpu.memory_space<vmem>> -> memref<2x100x64xf32, #tpu.memory_space<vmem>>
      tpu.enqueue_dma source(%dma_start3A_218 : memref<2x100x64xf32, #tpu.memory_space<vmem>>) target(%dma_start3A_213 : memref<2x100x64xf32, #tpu.memory_space<hbm>>) target_semaphore(%arg13 : memref<!tpu.dma_semaphore, #tpu.memory_space<semaphore_mem>>)
      %add3A_219 = arith.constant 2 : i32
      %add3A_220 = arith.addi %add3A_176, %add3A_219 : i32
      %lt3A_221 = arith.constant 64 : i32
      %lt3A_222 = arith.cmpi slt, %add3A_220, %lt3A_221 : i32
      %convert_element_type3A_223 = arith.extui %lt3A_222 : i1 to i32
      %cond3A_224 = arith.constant 0 : i32
      %cond3A_225 = arith.cmpi ne, %convert_element_type3A_223, %cond3A_224 : i32
      scf.if %cond3A_225 {
        %dma_start3A_226 = arith.constant 1 : i32
        %dma_start3A_227 = arith.constant 0 : i32
        %dma_start3A_228 = arith.constant 0 : i32
        %dma_start3A_229 = tpu.memref_slice %arg8[%dma_start3A_226, %dma_start3A_227, %dma_start3A_228] : memref<2x100x128xf32, #tpu.memory_space<vmem>> -> memref<1x100x128xf32, #tpu.memory_space<vmem>>
        %dma_start3A_230 = tpu.memref_squeeze %dma_start3A_229 : memref<1x100x128xf32, #tpu.memory_space<vmem>> -> memref<100x128xf32, #tpu.memory_space<vmem>>
        %dma_start3A_231 = arith.constant 0 : i32
        %dma_start3A_232 = tpu.memref_slice %arg6[%add3A_220, %dma_start3A_231] : memref<64x100xi32, #tpu.memory_space<vmem>> -> memref<1x100xi32, #tpu.memory_space<vmem>>
        %dma_start3A_233 = tpu.memref_squeeze %dma_start3A_232 : memref<1x100xi32, #tpu.memory_space<vmem>> -> memref<100xi32, #tpu.memory_space<vmem>>
        %dma_start3A_234 = arith.constant 0 : i32
        %dma_start3A_235 = arith.constant 0 : i32
        %dma_start3A_236 = tpu.memref_slice %arg3[%dma_start3A_234, %dma_start3A_235] : memref<100000x128xf32, #tpu.memory_space<hbm>> -> memref<100000x128xf32, #tpu.memory_space<hbm>>
        tpu.enqueue_indirect_dma source(%dma_start3A_236 : memref<100000x128xf32, #tpu.memory_space<hbm>>) target(%dma_start3A_230 : memref<100x128xf32, #tpu.memory_space<vmem>>) offsets(%dma_start3A_233 : memref<100xi32, #tpu.memory_space<vmem>>) semaphore(%arg11 : memref<!tpu.dma_semaphore, #tpu.memory_space<semaphore_mem>>)
      } else {
      }
    }
    %scan3A_27 = arith.constant 16 : i32
    %dma_wait3A = arith.constant 0 : i32
    %dma_wait3A_28 = arith.constant 0 : i32
    %dma_wait3A_29 = arith.constant 0 : i32
    %dma_wait3A_30 = arith.constant 0 : i32
    %dma_wait3A_31 = tpu.memref_slice %arg9[%dma_wait3A, %dma_wait3A_28, %dma_wait3A_29, %dma_wait3A_30] : memref<2x2x100x64xf32, #tpu.memory_space<vmem>> -> memref<1x2x100x64xf32, #tpu.memory_space<vmem>>
    %dma_wait3A_32 = tpu.memref_squeeze %dma_wait3A_31 : memref<1x2x100x64xf32, #tpu.memory_space<vmem>> -> memref<2x100x64xf32, #tpu.memory_space<vmem>>
    %dma_wait3A_33 = arith.constant 0 : i32
    %dma_wait3A_34 = arith.constant 0 : i32
    %dma_wait3A_35 = arith.constant 0 : i32
    %dma_wait3A_36 = tpu.memref_slice %arg5[%dma_wait3A_33, %dma_wait3A_34, %dma_wait3A_35] : memref<2048x100x64xf32, #tpu.memory_space<hbm>> -> memref<2x100x64xf32, #tpu.memory_space<hbm>>
    %dma_wait3A_37 = arith.constant 0 : i32
    %dma_wait3A_38 = arith.constant 0 : i32
    %dma_wait3A_39 = arith.constant 0 : i32
    %dma_wait3A_40 = tpu.memref_slice %arg5[%dma_wait3A_37, %dma_wait3A_38, %dma_wait3A_39] : memref<2048x100x64xf32, #tpu.memory_space<hbm>> -> memref<2x100x64xf32, #tpu.memory_space<hbm>>
    %dma_wait3A_41 = arith.constant 0 : i32
    %dma_wait3A_42 = arith.constant 0 : i32
    %dma_wait3A_43 = arith.constant 0 : i32
    %dma_wait3A_44 = tpu.memref_slice %arg9[%dma_wait3A, %dma_wait3A_41, %dma_wait3A_42, %dma_wait3A_43] : memref<2x2x100x64xf32, #tpu.memory_space<vmem>> -> memref<1x2x100x64xf32, #tpu.memory_space<vmem>>
    %dma_wait3A_45 = tpu.memref_squeeze %dma_wait3A_44 : memref<1x2x100x64xf32, #tpu.memory_space<vmem>> -> memref<2x100x64xf32, #tpu.memory_space<vmem>>
    tpu.wait_dma2 semaphore(%arg12 : memref<!tpu.dma_semaphore, #tpu.memory_space<semaphore_mem>>) src(%dma_wait3A_45 : memref<2x100x64xf32, #tpu.memory_space<vmem>>) dst(%dma_wait3A_40 : memref<2x100x64xf32, #tpu.memory_space<hbm>>)
    %dma_wait3A_46 = arith.constant 1 : i32
    %dma_wait3A_47 = arith.constant 0 : i32
    %dma_wait3A_48 = arith.constant 0 : i32
    %dma_wait3A_49 = arith.constant 0 : i32
    %dma_wait3A_50 = tpu.memref_slice %arg9[%dma_wait3A_46, %dma_wait3A_47, %dma_wait3A_48, %dma_wait3A_49] : memref<2x2x100x64xf32, #tpu.memory_space<vmem>> -> memref<1x2x100x64xf32, #tpu.memory_space<vmem>>
    %dma_wait3A_51 = tpu.memref_squeeze %dma_wait3A_50 : memref<1x2x100x64xf32, #tpu.memory_space<vmem>> -> memref<2x100x64xf32, #tpu.memory_space<vmem>>
    %dma_wait3A_52 = arith.constant 0 : i32
    %dma_wait3A_53 = arith.constant 0 : i32
    %dma_wait3A_54 = arith.constant 0 : i32
    %dma_wait3A_55 = tpu.memref_slice %arg5[%dma_wait3A_52, %dma_wait3A_53, %dma_wait3A_54] : memref<2048x100x64xf32, #tpu.memory_space<hbm>> -> memref<2x100x64xf32, #tpu.memory_space<hbm>>
    %dma_wait3A_56 = arith.constant 0 : i32
    %dma_wait3A_57 = arith.constant 0 : i32
    %dma_wait3A_58 = arith.constant 0 : i32
    %dma_wait3A_59 = tpu.memref_slice %arg5[%dma_wait3A_56, %dma_wait3A_57, %dma_wait3A_58] : memref<2048x100x64xf32, #tpu.memory_space<hbm>> -> memref<2x100x64xf32, #tpu.memory_space<hbm>>
    %dma_wait3A_60 = arith.constant 0 : i32
    %dma_wait3A_61 = arith.constant 0 : i32
    %dma_wait3A_62 = arith.constant 0 : i32
    %dma_wait3A_63 = tpu.memref_slice %arg9[%dma_wait3A_46, %dma_wait3A_60, %dma_wait3A_61, %dma_wait3A_62] : memref<2x2x100x64xf32, #tpu.memory_space<vmem>> -> memref<1x2x100x64xf32, #tpu.memory_space<vmem>>
    %dma_wait3A_64 = tpu.memref_squeeze %dma_wait3A_63 : memref<1x2x100x64xf32, #tpu.memory_space<vmem>> -> memref<2x100x64xf32, #tpu.memory_space<vmem>>
    tpu.wait_dma2 semaphore(%arg13 : memref<!tpu.dma_semaphore, #tpu.memory_space<semaphore_mem>>) src(%dma_wait3A_64 : memref<2x100x64xf32, #tpu.memory_space<vmem>>) dst(%dma_wait3A_59 : memref<2x100x64xf32, #tpu.memory_space<hbm>>)
    return
  }
}

</mosaic_0001>

<sc_bundles>
// kernel: kernel.3.cloned.1.call-start
scs
__scs_entry_jumppad:
0x0: {  	(pc) =	sbr.rel $0x88, $3  }
0x1: {  	(tag) =	ssettag $0x0;
	lr =	simm.s32 $0x1  }
0x2: {  	[smem:$0x3F9E] =	sst lr;
	_ =	strace $0xD0000000  }
0x3: {  	_ = 	snop  }
0x4: {  	_ = 	snop  }
0x5: {  	_ = 	snop  }
0x6: {  	_ = 	snop  }
0x7: {  	_ = 	snop  }
__scs_overlays_trampoline_lowered:
0x8: {  	[smem:$0x3FAD] =	sst s0  }
0x9: {  	[smem:$0x3FAE] =	sst s1  }
0xa: {  	[smem:$0x3FAF] =	sst s2  }
0xb: {  	[smem:$0x3FB0] =	sst s3  }
0xc: {  	[smem:$0x3FB1] =	sst s4  }
0xd: {  	[smem:$0x3FB2] =	sst s5  }
0xe: {  	[smem:$0x3FB3] =	sst s6  }
0xf: {  	[smem:$0x3FB4] =	sst s7  }
0x10: {  	[smem:$0x3FB5] =	sst s8  }
0x11: {  	[smem:$0x3FB6] =	sst s9;
	s0 =	simm.s32 @!p0 $0x0  }
0x12: {  	s1 =	sld [smem:$0x3F9C];
	s0 =	simm.s32 @p0 $0x1  }
0x13: {  	[smem:$0x3FB7] =	sst s0;
	s0 =	simm.s32 @!p1 $0x0  }
0x14: {  	s2 =	sld [smem:$0x3F9B];
	s0 =	simm.s32 @p1 $0x1  }
0x15: {  	[smem:$0x3FB8] =	sst s0;
	s0 =	simm.s32 @!p2 $0x0  }
0x16: {  	s3 =	sld [smem:$0x3FDB];
	s0 =	simm.s32 @p2 $0x1  }
0x17: {  	s4 =	simm.s32 $0x1BF5;
	[smem:$0x3FBA] =	sst s0  }
0x18: {  	s0 =	sld [smem:$0x3F9D];
	_ =	swait.ge [sflag:s4], $0x0  }
0x19: {  	s7 =	sld [smem:$0x3F9E]  }
0x1a: {  	s8 =	sadd.s32 $0xFFFFE003, lr  }
0x1b: {  	s9 =	sadd.s32 $0xFFFFFEF7, lr;
	s5 =	simm.s32 $0xFFFFFFFF;
	p2 =	slt.u32 s8, $0xFFFFF086  }
0x1c: {  	p1 =	slt.u32 s9, $0xF7A;
	s5 =	simm.s32 @!p2 $0x0  }
0x1d: {  	s5 =	simm.s32 @p1 $0x1;
	p0 =	seq.s32 s7, s2  }
0x1e: {  	s7 =	smul.u32 @!p0 $0xF7A, s2;
	p2 =	seq.s32 @!p0 s5, $0x0  }
0x1f: {  	s9 =	smul.u32 $0xF7A, s1;
	s8 =	simm.s32 @!p0 $0x1BF5;
	p2 =	por !p2, p0  }
0x20: {  	[sflag:s8] =	ssyncset.s32 @!p0 $0xFFFFF086;
	s6 =	sadd.s32 @!p0 s3, s7;
	s7 =	simm.s32 @!p0 $0x108  }
0x21: {  	s3 =	sadd.s32 s3, s9;
	s6 =	sadd.s32 @!p0 $0x88, s6;
	s7 =	simm.s32 @p2 $0x1082  }
0x22: {  	[simem:s7], [sflag:s8] =	dma.local @!p0 [hbm:s6], $0xF7A  }
0x23: {  	s9 =	sor.u32 $0xD0000000, s2;
	s6 =	simm.s32 $0x108;
	_ =	swait.ge @!p0 [sflag:s8], $0x0  }
0x24: {  	s3 =	sadd.s32 $0x88, s3;
	s6 =	simm.s32 @!p1 $0x1082;
	[sflag:s4] =	ssyncset.s32 $0xFFFFF086  }
0x25: {  	[simem:s6], [sflag:s4] =	dma.local [hbm:s3], $0xF7A  }
0x26: {  	[smem:$0x3F9E] =	sst s1;
	(tag) =	ssettag s2;
	_ =	strace s9  }
0x27: {  	s1 =	sld [smem:$0x3FAE]  }
0x28: {  	s2 =	sld [smem:$0x3FAF]  }
0x29: {  	s4 =	sld [smem:$0x3FB1]  }
0x2a: {  	p0 =	seq.s32 s5, $0x0;
	s5 =	sld [smem:$0x3FB2]  }
0x2b: {  	s6 =	sld [smem:$0x3FB3]  }
0x2c: {  	s7 =	sld [smem:$0x3FB4]  }
0x2d: {  	s3 =	simm.s32 $0x108;
	s8 =	sld [smem:$0x3FB5]  }
0x2e: {  	s3 =	simm.s32 @!p0 $0x1082;
	s9 =	sld [smem:$0x3FB6]  }
0x2f: {  	lr =	sadd.s32 s0, s3;
	s0 =	sld [smem:$0x3FAD]  }
0x30: {  	s3 =	sld [smem:$0x3FB0]  }
0x31: {  	[smem:$0x3FB9] =	sst s10  }
0x32: {  	s10 =	sld [smem:$0x3FB7];
	_ =	sdelay $0x3  }
0x33: {  	p0 =	seq.s32 s10, $0x1;
	s10 =	sld [smem:$0x3FB9];
	_ =	sdelay $0x3  }
0x34: {  	[smem:$0x3FB9] =	sst s10  }
0x35: {  	s10 =	sld [smem:$0x3FB8];
	_ =	sdelay $0x3  }
0x36: {  	p1 =	seq.s32 s10, $0x1;
	s10 =	sld [smem:$0x3FB9];
	_ =	sdelay $0x3  }
0x37: {  	[smem:$0x3FB9] =	sst s10  }
0x38: {  	s10 =	sld [smem:$0x3FBA]  }
0x39: {  	_ = 	snop;
	(pc) =	sbr.ind lr, $3  }
0x3a: {  	_ = 	snop  }
0x3b: {  	_ = 	snop  }
0x3c: {  	p2 =	seq.s32 s10, $0x1;
	s10 =	sld [smem:$0x3FB9]  }
0x3d: {  	_ =	shalt  }
0x3e: {  	_ =	shalt  }
0x3f: {  	_ =	shalt  }
0x40: {  	_ =	shalt  }
0x41: {  	_ =	shalt  }
0x42: {  	_ =	shalt  }
0x43: {  	_ =	shalt  }
0x44: {  	_ =	shalt  }
0x45: {  	_ =	shalt  }
0x46: {  	_ =	shalt  }
0x47: {  	_ =	shalt  }
0x48: {  	_ =	shalt  }
0x49: {  	_ =	shalt  }
0x4a: {  	_ =	shalt  }
0x4b: {  	_ =	shalt  }
0x4c: {  	_ =	shalt  }
0x4d: {  	_ =	shalt  }
0x4e: {  	_ =	shalt  }
0x4f: {  	_ =	shalt  }
0x50: {  	_ =	shalt  }
0x51: {  	_ =	shalt  }
0x52: {  	_ =	shalt  }
0x53: {  	_ =	shalt  }
0x54: {  	_ =	shalt  }
0x55: {  	_ =	shalt  }
0x56: {  	_ =	shalt  }
0x57: {  	_ =	shalt  }
0x58: {  	_ =	shalt  }
0x59: {  	_ =	shalt  }
0x5a: {  	_ =	shalt  }
0x5b: {  	_ =	shalt  }
0x5c: {  	_ =	shalt  }
0x5d: {  	_ =	shalt  }
0x5e: {  	_ =	shalt  }
0x5f: {  	_ =	shalt  }
0x60: {  	_ =	shalt  }
0x61: {  	_ =	shalt  }
0x62: {  	_ =	shalt  }
0x63: {  	_ =	shalt  }
0x64: {  	_ =	shalt  }
0x65: {  	_ =	shalt  }
0x66: {  	_ =	shalt  }
0x67: {  	_ =	shalt  }
0x68: {  	_ =	shalt  }
0x69: {  	_ =	shalt  }
0x6a: {  	_ =	shalt  }
0x6b: {  	_ =	shalt  }
0x6c: {  	_ =	shalt  }
0x6d: {  	_ =	shalt  }
0x6e: {  	_ =	shalt  }
0x6f: {  	_ =	shalt  }
0x70: {  	_ =	shalt  }
0x71: {  	_ =	shalt  }
0x72: {  	_ =	shalt  }
0x73: {  	_ =	shalt  }
0x74: {  	_ =	shalt  }
0x75: {  	_ =	shalt  }
0x76: {  	_ =	shalt  }
0x77: {  	_ =	shalt  }
0x78: {  	_ =	shalt  }
0x79: {  	_ =	shalt  }
0x7a: {  	_ =	shalt  }
0x7b: {  	_ =	shalt  }
0x7c: {  	_ =	shalt  }
0x7d: {  	_ =	shalt  }
0x7e: {  	_ =	shalt  }
0x7f: {  	_ =	shalt  }
0x80: {  	_ =	shalt  }
0x81: {  	_ =	shalt  }
0x82: {  	_ =	shalt  }
0x83: {  	_ =	shalt  }
0x84: {  	_ =	shalt  }
0x85: {  	_ =	shalt  }
0x86: {  	_ =	shalt  }
0x87: {  	_ =	shalt  }
.Lfunc_end0:
.L_simem_size_0:
called_computation.1_lowered:
.L_overlay_start_0:
0x88: {  	s2 =	sld [smem:$0x3FD9]  }
0x89: {  	s3 =	sld [smem:$0x3FFE];
	_ =	sdelay $0x1  }
0x8a: {  	s1 =	srdreg.scid  }
0x8b: {  	s0 =	sand.u32 $0x1, s1  }
0x8c: {  	s16 =	sshll.u32 s0, $0xA;
	s2 =	sadd.s32 s3, s2  }
0x8d: {  	s2 =	sadd.s32 s2, s16  }
0x8e: {  	[smem:$0x3FC5] =	sst s2  }
0x8f: {  	_ = 	snop  }
0x90: {  	(tm) =	ssettm $0x1  }
0x91: {  	s17 =	sld [smem:$0x3FFB];
	_ =	sdelay $0x3  }
0x92: {  	_ =	strace s17  }
0x93: {  	s2 =	sld [smem:$0x3FFC];
	_ =	sdelay $0x3  }
0x94: {  	_ =	strace s2  }
0x95: {  	s2 =	sld [smem:$0x3FFD];
	_ =	sdelay $0x3  }
0x96: {  	_ =	strace s2  }
0x97: {  	_ =	strace $0x8FFFFFFF  }
0x98: {  	s18 =	sld [smem:$0x3FDB];
	_ =	sdelay $0x1  }
0x99: {  	s19 =	simm.s32 $_scs_section_size  }
0x9a: {  	s4 =	simm.s32 $_size__tile_overlayer_lowered;
	s5 =	simm.s32 $_tile_overlayer_lowered  }
0x9b: {  	s22 =	simm.s32 $0x1BFF;
	s21 =	sshll.u32 s5, $0x1;
	s2 =	sadd.s32 s19, s18  }
0x9c: {  	s6 =	simm.s32 $0x0;
	s20 =	sshll.u32 s4, $0x1;
	s4 =	sadd.s32 s21, s2  }
0x9d: {  	[timem:s6], [sflag:s22] =	dma.local [hbm:s4], s20  }
0x9e: {  	_ =	swait.ge [sflag:s22], s20  }
0x9f: {  	s3 =	ssub.s32 $0x0, s20;
	[sflag:s22] =	ssyncset.done $0x0  }
0xa0: {  	[sflag:s22] =	ssyncadd.s32 s3;
	_ =	sdelay $0x1  }
0xa1: {  	s23 =	simm.s32 $0x1B8B  }
0xa2: {  	_ =	swait.ge [sflag:s23], $0x1  }
0xa3: {  	[sflag:s23] =	ssyncset.done $0x0  }
0xa4: {  	s25 =	simm.s32 $0x1B8E;
	s24 =	sld [smem:$0x3FFE];
	[sflag:s23] =	ssyncadd.s32 $0xFFFFFFFF  }
0xa5: {  	s26 =	simm.s32 $execute0_lowered;
	[smem:$0x3FD2] =	sst s25  }
0xa6: {  	s4 =	sshll.u32 s26, $0x1;
	_ =	strace $0x80000046;
	[dreg:$0x1] =	wrdreg $0xFFFFFFFF  }
0xa7: {  	s28 =	simm.s32 $_size_execute0_lowered;
	s2 =	sadd.s32 s2, s4;
	[dreg:$0x0] =	wrdreg $0x0  }
0xa8: {  	s4 =	sshll.u32 s28, $0x1;
	[dreg:$0x2] =	wrdreg s2  }
0xa9: {  	[dreg:$0x3] =	wrdreg s4  }
0xaa: {  	[dreg:$0x4] =	wrdreg $0xC0  }
0xab: {  	_ =	task [dreg:s6], $0x5FFFF  }
0xac: {  	[dreg:$0x1] =	wrdreg $0xFFFFFFFF  }
0xad: {  	[dreg:$0x0] =	wrdreg $0x60  }
0xae: {  	[dreg:$0x2] =	wrdreg s24  }
0xaf: {  	[dreg:$0x3] =	wrdreg $0x9  }
0xb0: {  	_ =	task.clear_ibuf [dreg:s6], $0x4FFFF;
	_ =	strace $0x90000046  }
0xb1: {  	s29 =	simm.s32 $0x9;
	_ =	strace $0x80000048  }
0xb2: {  	_ =	swait.ge [sflag:s29], $0x1  }
0xb3: {  	[sflag:s29] =	ssyncadd.s32 $0xFFFFFFFF  }
0xb4: {  	_ =	strace $0x90000048  }
0xb5: {  	_ =	sfence  }
0xb6: {  	s30 =	sld [smem:$0x0];
	_ =	sdelay $0x2  }
0xb7: {  	s31 =	sshll.u32 s1, $0xD;
	s1 =	sshrl.u32 s1, $0x2  }
0xb8: {  	s3 =	sand.u32 $0x4000, s31;
	s1 =	sadd.s32 s1, s30  }
0xb9: {  	s0 =	sor.u32 s3, s0;
	s1 =	sshll.u32 s1, $0x11  }
0xba: {  	s0 =	sor.u32 s1, s0  }
0xbb: {  	s0 =	sadd.s32 $0x8F2B, s0  }
0xbc: {  	[sflag:s0] =	ssyncadd.remote.s32 $0x1  }
0xbd: {  	_ =	sfence.sel $0xFFFF  }
0xbe: {  	[dreg:$0x0] =	wrdreg $0xFFFFFFFF;
	(pc) =	sbr.abs _section_cstart, $3  }
0xbf: {  	[dreg:$0x1] =	wrdreg $0xFFFFFFFF  }
0xc0: {  	_ =	task.clear_ibuf [dreg:s6], $0x2FFFF;
	_ =	strace $0x9FFFFFFF  }
0xc1: {  	(tm) =	ssettm $0x7FFFFFFF  }
tec
execute0_lowered:
.L_overlay_start_1:
0x0: {  	(tag) =	ssettag $0x1  }
0x1: {  	s5 =	rddreg [dreg:$0x0]  }
0x2: {  	s0 =	rddreg [dreg:$0x1]  }
0x3: {  	s3 =	srdreg.scid;
	s1 =	stileid.u32  }
0x4: {  	s2 =	simm.s32 $0x0;
	s10 =	simm.s32 $0x2000;
	s11 =	simm.s32 $0x64  }
0x5: {  	s12 =	simm.s32 $0x8400;
	s13 =	simm.s32 $0x80;
	s14 =	simm.s32 $0xB800  }
0x6: {  	s15 =	simm.s32 $0x1;
	s16 =	simm.s32 $0x2;
	s17 =	simm.s32 $0xEC00  }
0x7: {  	s18 =	simm.s32 $0x12000;
	s19 =	simm.s32 $0x15400;
	s20 =	simm.s32 $0x18800  }
0x8: {  	s21 =	simm.s32 $0x3;
	s22 =	simm.s32 $0x4;
	s23 =	simm.s32 $0x0  }
0x9: {  	s3 =	sand.u32 $0x1, s3;
	s4 =	sshll.u32 s1, $0x1;
	[smem:$0x7FF] =	sst s2  }
.Ltmp0:
0xa: {  	s7 =	sor.u32 s3, s4;
	_ =	strace $0x80000047;
	(pc) =	sbr.rel .LBB2_1-.Ltmp0, $4  }
0xb: {  	s6 =	ssub.s32 $0x2, s3;
	s3 =	sadd.s32 $0x9600, s5;
	s4 =	sshll.u32 s7, $0xA  }
0xc: {  	s9 =	sshrl.u32 s6, $0x1;
	s7 =	sshll.u32 s7, $0x5;
	s8 =	sadd.s32 s4, s5  }
0xd: {  	s4 =	sadd.s32 $0x800, s5;
	s5 =	sadd.s32 $0x190000, s5;
	s9 =	ssub.s32 s6, s9  }
0xe: {  	s6 =	sadd.s32 $0x1600, s8;
	s8 =	smax.u32 s9, $0x1;
	s9 =	simm.s32 $0x5  }
.LBB2_12:
0xf: {  	s23 =	sadd.s32 $0x1, s23  }
0x10: {  	_ =	swait.ge [sflag:s21], $0x6400;
	p0 =	sne.s32 s23, s8  }
.Ltmp1:
0x11: {  	[sflag:s21] =	ssyncset.done $0x0;
	(pc) =	sbr.rel @!p0 .LBB2_13-.Ltmp1, $4  }
0x12: {  	[sflag:s21] =	ssyncadd.s32 $0xFFFF9C00  }
0x13: {  	_ =	swait.ge [sflag:s22], $0x6400  }
0x14: {  	[sflag:s22] =	ssyncset.done $0x0  }
0x15: {  	[sflag:s22] =	ssyncadd.s32 $0xFFFF9C00  }
.LBB2_1:
0x16: {  	[tilespmem:s2], [sflag:$0x5] =	stream.linear.gather [hbm4b:s6+s2], $0x2000, $0x38;
	[tilespmem:$0x1BC00] =	vst v63  }
0x17: {  	_ =	swait.ge [sflag:s9], $0x2000  }
0x18: {  	[sflag:s9] =	ssyncset.done $0x0  }
0x19: {  	[sflag:s9] =	ssyncadd.s32 $0xFFFFE000  }
0x1a: {  	[tilespmem:s10], [sflag:$0x5] =	stream.linear.gather [hbm4b:s4+s2], $0x6400, $0x38;
	[tilespmem:$0x1BC00] =	vst v63  }
0x1b: {  	_ =	swait.ge [sflag:s9], $0x6400  }
0x1c: {  	[sflag:s9] =	ssyncset.done $0x0  }
0x1d: {  	[sflag:s9] =	ssyncadd.s32 $0xFFFF9C00  }
0x1e: {  	[tilespmem:s12], [sflag:$0x1] =	stream.indirect.gather [hbm4b:s3+s11], $0x80, s2, s11, $0xb8;
	[tilespmem:$0x1BC00] =	vst v63  }
0x1f: {  	s24 =	simm.s32 $0x0  }
0x20: {  	[tilespmem:s14], [sflag:$0x2] =	stream.indirect.gather [hbm4b:s3+s11], $0x80, s13, s11, $0xb8;
	[tilespmem:$0x1BC00] =	vst v63  }
.LBB2_2:
0x21: {  	_ =	swait.ge [sflag:s15], $0x3200  }
0x22: {  	p0 =	seq.s32 s24, $0x0;
	[sflag:s15] =	ssyncset.done $0x0  }
0x23: {  	s25 =	simm.s32 @!p0 $0x3;
	[sflag:s15] =	ssyncadd.s32 $0xFFFFCE00  }
0x24: {  	_ =	swait.ge @!p0 [sflag:s25], $0x6400  }
0x25: {  	[sflag:s25] =	ssyncset.done @!p0 $0x0  }
0x26: {  	[sflag:s25] =	ssyncadd.s32 @!p0 $0xFFFF9C00;
	s25 =	simm.s32 $0x0  }
0x27: {  	v2 =	vld [tilespmem:s25+$0x8430]  }
0x28: {  	v4 =	vld [tilespmem:s25+$0x2030]  }
0x29: {  	v5 =	vld [tilespmem:s25+$0x8400]  }
0x2a: {  	v6 =	vld [tilespmem:s25+$0x2000]  }
0x2b: {  	v1 =	vld [tilespmem:s25+$0x8410]  }
0x2c: {  	v3 =	vld [tilespmem:s25+$0x2010]  }
0x2d: {  	v0 =	vld [tilespmem:s25+$0x8420];
	v7 =	vadd.f32 v4, v2  }
0x2e: {  	s26 =	simm.s32 $0x80;
	v4 =	vld [tilespmem:s25+$0x2020]  }
0x2f: {  	s28 =	sshll.u32 s24, $0xB;
	s29 =	simm.s32 $0x400;
	v2 =	vld [tilespmem:s26+$0x8430];
	v5 =	vadd.f32 v6, v5;
	[tilespmem:s25+$0xEC30] =	vst v7  }
.LBB2_3:
0x30: {  	p1 =	sne.s32 s29, $0xC600;
	v6 =	vld [tilespmem:s26+$0x2030]  }
0x31: {  	v7 =	vld [tilespmem:s26+$0x8400];
	[tilespmem:s25+$0xEC00] =	vst v5;
	v3 =	vadd.f32 v3, v1  }
0x32: {  	v5 =	vld [tilespmem:s26+$0x2000]  }
.Ltmp2:
0x33: {  	v1 =	vld [tilespmem:s26+$0x8410];
	[tilespmem:s25+$0xEC10] =	vst v3;
	v4 =	vadd.f32 v4, v0;
	(pc) =	sbr.rel @p1 .LBB2_3-.Ltmp2, $4  }
0x34: {  	v3 =	vld [tilespmem:s26+$0x2010]  }
0x35: {  	v0 =	vld [tilespmem:s26+$0x8420];
	v6 =	vadd.f32 v6, v2;
	[tilespmem:s25+$0xEC20] =	vst v4;
	s25 =	smov.u32 s26  }
0x36: {  	s26 =	sshra.s32 s29, $0x2;
	v4 =	vld [tilespmem:s25+$0x2020]  }
0x37: {  	s29 =	sadd.s32 $0x200, s29;
	v2 =	vld [tilespmem:s26+$0x8430];
	v5 =	vadd.f32 v5, v7;
	[tilespmem:s25+$0xEC30] =	vst v6  }
0x38: {  	v6 =	vld [tilespmem:s26+$0x2030]  }
0x39: {  	v7 =	vld [tilespmem:s26+$0x8400];
	[tilespmem:s25+$0xEC00] =	vst v5;
	v1 =	vadd.f32 v3, v1  }
0x3a: {  	v3 =	vld [tilespmem:s26+$0x2000]  }
0x3b: {  	v5 =	vld [tilespmem:s26+$0x8410];
	[tilespmem:s25+$0xEC10] =	vst v1;
	v0 =	vadd.f32 v4, v0  }
0x3c: {  	v1 =	vld [tilespmem:s26+$0x2010]  }
0x3d: {  	v4 =	vld [tilespmem:s26+$0x8420];
	[tilespmem:s25+$0xEC20] =	vst v0  }
0x3e: {  	v0 =	vld [tilespmem:s26+$0x2020];
	_ =	sdelay $0x1  }
0x3f: {  	v2 =	vadd.f32 v6, v2  }
0x40: {  	v3 =	vadd.f32 v3, v7  }
0x41: {  	[tilespmem:s26+$0xEC30] =	vst v2;
	v1 =	vadd.f32 v1, v5  }
0x42: {  	[tilespmem:s26+$0xEC00] =	vst v3;
	v0 =	vadd.f32 v0, v4  }
0x43: {  	s25 =	sshrl.u32 s28, $0x2;
	[tilespmem:s26+$0xEC10] =	vst v1  }
0x44: {  	s31 =	sadd.s32 $0x100, s25;
	[tilespmem:s26+$0xEC20] =	vst v0  }
0x45: {  	[tilespmem:s12], [sflag:$0x1] =	stream.indirect.gather [hbm4b:s3+s11], $0x80, s31, s11, $0xb8;
	[tilespmem:$0x1BC00] =	vst v63  }
0x46: {  	_ =	swait.ge [sflag:s16], $0x3200  }
0x47: {  	[sflag:s16] =	ssyncset.done $0x0  }
0x48: {  	s26 =	simm.s32 $0x0;
	[sflag:s16] =	ssyncadd.s32 $0xFFFFCE00  }
0x49: {  	v2 =	vld [tilespmem:s26+$0xB830]  }
0x4a: {  	v4 =	vld [tilespmem:s26+$0x5230]  }
0x4b: {  	v5 =	vld [tilespmem:s26+$0xB800]  }
0x4c: {  	v6 =	vld [tilespmem:s26+$0x5200]  }
0x4d: {  	v1 =	vld [tilespmem:s26+$0xB810]  }
0x4e: {  	v3 =	vld [tilespmem:s26+$0x5210]  }
0x4f: {  	v0 =	vld [tilespmem:s26+$0xB820];
	v7 =	vadd.f32 v4, v2  }
0x50: {  	s28 =	simm.s32 $0x80;
	v4 =	vld [tilespmem:s26+$0x5220]  }
0x51: {  	s29 =	simm.s32 $0x400;
	v2 =	vld [tilespmem:s28+$0xB830];
	v5 =	vadd.f32 v6, v5;
	[tilespmem:s26+$0x12030] =	vst v7  }
.LBB2_5:
0x52: {  	p1 =	sne.s32 s29, $0xC600;
	v6 =	vld [tilespmem:s28+$0x5230]  }
0x53: {  	v7 =	vld [tilespmem:s28+$0xB800];
	[tilespmem:s26+$0x12000] =	vst v5;
	v3 =	vadd.f32 v3, v1  }
0x54: {  	v5 =	vld [tilespmem:s28+$0x5200]  }
.Ltmp3:
0x55: {  	v1 =	vld [tilespmem:s28+$0xB810];
	[tilespmem:s26+$0x12010] =	vst v3;
	v4 =	vadd.f32 v4, v0;
	(pc) =	sbr.rel @p1 .LBB2_5-.Ltmp3, $4  }
0x56: {  	v3 =	vld [tilespmem:s28+$0x5210]  }
0x57: {  	v0 =	vld [tilespmem:s28+$0xB820];
	v6 =	vadd.f32 v6, v2;
	[tilespmem:s26+$0x12020] =	vst v4;
	s26 =	smov.u32 s28  }
0x58: {  	s28 =	sshra.s32 s29, $0x2;
	v4 =	vld [tilespmem:s26+$0x5220]  }
0x59: {  	s29 =	sadd.s32 $0x200, s29;
	v2 =	vld [tilespmem:s28+$0xB830];
	v5 =	vadd.f32 v5, v7;
	[tilespmem:s26+$0x12030] =	vst v6  }
0x5a: {  	v6 =	vld [tilespmem:s28+$0x5230]  }
0x5b: {  	v7 =	vld [tilespmem:s28+$0xB800];
	[tilespmem:s26+$0x12000] =	vst v5;
	v1 =	vadd.f32 v3, v1  }
0x5c: {  	v3 =	vld [tilespmem:s28+$0x5200]  }
0x5d: {  	v5 =	vld [tilespmem:s28+$0xB810];
	[tilespmem:s26+$0x12010] =	vst v1;
	v0 =	vadd.f32 v4, v0  }
0x5e: {  	v1 =	vld [tilespmem:s28+$0x5210]  }
0x5f: {  	v4 =	vld [tilespmem:s28+$0xB820];
	[tilespmem:s26+$0x12020] =	vst v0  }
0x60: {  	v0 =	vld [tilespmem:s28+$0x5220];
	_ =	sdelay $0x1  }
0x61: {  	v2 =	vadd.f32 v6, v2  }
0x62: {  	s26 =	sshll.u32 s24, $0x1;
	v3 =	vadd.f32 v3, v7  }
0x63: {  	s29 =	sadd.s32 s7, s26;
	[tilespmem:s28+$0x12030] =	vst v2;
	v1 =	vadd.f32 v1, v5  }
0x64: {  	s29 =	smul.u32 $0xD00, s29;
	[tilespmem:s28+$0x12000] =	vst v3;
	v0 =	vadd.f32 v0, v4  }
0x65: {  	[tilespmem:s28+$0x12010] =	vst v1  }
0x66: {  	[tilespmem:s28+$0x12020] =	vst v0;
	s28 =	sadd.s32 s5, s29  }
0x67: {  	[hbm4b:s28+s2] =	stream.linear.scatter [tilespmem:s17], [sflag:$0x3], $0x3200, $0x38;
	[tilespmem:$0x1BC00] =	vst v63  }
0x68: {  	s28 =	sadd.s32 $0x680, s28  }
0x69: {  	[hbm4b:s28+s2] =	stream.linear.scatter [tilespmem:s18], [sflag:$0x3], $0x3200, $0x38;
	[tilespmem:$0x1BC00] =	vst v63  }
0x6a: {  	s28 =	sadd.s32 $0x180, s25  }
0x6b: {  	[tilespmem:s14], [sflag:$0x2] =	stream.indirect.gather [hbm4b:s3+s11], $0x80, s28, s11, $0xb8;
	[tilespmem:$0x1BC00] =	vst v63  }
0x6c: {  	_ =	swait.ge [sflag:s15], $0x3200  }
0x6d: {  	[sflag:s15] =	ssyncset.done $0x0  }
0x6e: {  	s28 =	simm.s32 @!p0 $0x4;
	[sflag:s15] =	ssyncadd.s32 $0xFFFFCE00  }
0x6f: {  	_ =	swait.ge @!p0 [sflag:s28], $0x6400  }
0x70: {  	[sflag:s28] =	ssyncset.done @!p0 $0x0  }
0x71: {  	[sflag:s28] =	ssyncadd.s32 @!p0 $0xFFFF9C00;
	s28 =	simm.s32 $0x0  }
0x72: {  	v2 =	vld [tilespmem:s28+$0x8430]  }
0x73: {  	v4 =	vld [tilespmem:s28+$0x2030]  }
0x74: {  	v5 =	vld [tilespmem:s28+$0x8400]  }
0x75: {  	v6 =	vld [tilespmem:s28+$0x2000]  }
0x76: {  	v1 =	vld [tilespmem:s28+$0x8410]  }
0x77: {  	v3 =	vld [tilespmem:s28+$0x2010]  }
0x78: {  	v0 =	vld [tilespmem:s28+$0x8420];
	v7 =	vadd.f32 v4, v2  }
0x79: {  	s29 =	simm.s32 $0x80;
	v4 =	vld [tilespmem:s28+$0x2020]  }
0x7a: {  	s30 =	simm.s32 $0x400;
	v2 =	vld [tilespmem:s29+$0x8430];
	v5 =	vadd.f32 v6, v5;
	[tilespmem:s28+$0x15430] =	vst v7  }
.LBB2_7:
0x7b: {  	p0 =	sne.s32 s30, $0xC600;
	v6 =	vld [tilespmem:s29+$0x2030]  }
0x7c: {  	v7 =	vld [tilespmem:s29+$0x8400];
	[tilespmem:s28+$0x15400] =	vst v5;
	v3 =	vadd.f32 v3, v1  }
0x7d: {  	v5 =	vld [tilespmem:s29+$0x2000]  }
.Ltmp4:
0x7e: {  	v1 =	vld [tilespmem:s29+$0x8410];
	[tilespmem:s28+$0x15410] =	vst v3;
	v4 =	vadd.f32 v4, v0;
	(pc) =	sbr.rel @p0 .LBB2_7-.Ltmp4, $4  }
0x7f: {  	v3 =	vld [tilespmem:s29+$0x2010]  }
0x80: {  	v0 =	vld [tilespmem:s29+$0x8420];
	v6 =	vadd.f32 v6, v2;
	[tilespmem:s28+$0x15420] =	vst v4;
	s28 =	smov.u32 s29  }
0x81: {  	s29 =	sshra.s32 s30, $0x2;
	v4 =	vld [tilespmem:s28+$0x2020]  }
0x82: {  	s30 =	sadd.s32 $0x200, s30;
	v2 =	vld [tilespmem:s29+$0x8430];
	v5 =	vadd.f32 v5, v7;
	[tilespmem:s28+$0x15430] =	vst v6  }
0x83: {  	v6 =	vld [tilespmem:s29+$0x2030]  }
0x84: {  	v7 =	vld [tilespmem:s29+$0x8400];
	[tilespmem:s28+$0x15400] =	vst v5;
	v1 =	vadd.f32 v3, v1  }
0x85: {  	v3 =	vld [tilespmem:s29+$0x2000]  }
0x86: {  	v5 =	vld [tilespmem:s29+$0x8410];
	[tilespmem:s28+$0x15410] =	vst v1;
	v0 =	vadd.f32 v4, v0  }
0x87: {  	v1 =	vld [tilespmem:s29+$0x2010]  }
0x88: {  	v4 =	vld [tilespmem:s29+$0x8420];
	[tilespmem:s28+$0x15420] =	vst v0  }
0x89: {  	v0 =	vld [tilespmem:s29+$0x2020];
	_ =	sdelay $0x1  }
0x8a: {  	v2 =	vadd.f32 v6, v2  }
0x8b: {  	v3 =	vadd.f32 v3, v7  }
0x8c: {  	[tilespmem:s29+$0x15430] =	vst v2;
	v1 =	vadd.f32 v1, v5  }
0x8d: {  	[tilespmem:s29+$0x15400] =	vst v3;
	v0 =	vadd.f32 v0, v4  }
0x8e: {  	p0 =	seq.s32 s24, $0xF;
	[tilespmem:s29+$0x15410] =	vst v1  }
0x8f: {  	s30 =	simm.s32 @!p0 $0x8400;
	s28 =	sadd.s32 @!p0 $0x200, s25;
	[tilespmem:s29+$0x15420] =	vst v0;
	s29 =	simm.s32 @!p0 $0x64  }
0x90: {  	[tilespmem:s30], [sflag:$0x1] =	stream.indirect.gather @!p0 [hbm4b:s3+s29], $0x80, s28, s29, $0xb8;
	[tilespmem:$0x1BC00] =	vst v63  }
0x91: {  	_ =	swait.ge [sflag:s16], $0x3200  }
0x92: {  	[sflag:s16] =	ssyncset.done $0x0  }
0x93: {  	s29 =	simm.s32 $0x0;
	[sflag:s16] =	ssyncadd.s32 $0xFFFFCE00  }
0x94: {  	v2 =	vld [tilespmem:s29+$0xB830]  }
0x95: {  	v4 =	vld [tilespmem:s29+$0x5230]  }
0x96: {  	v5 =	vld [tilespmem:s29+$0xB800]  }
0x97: {  	v6 =	vld [tilespmem:s29+$0x5200]  }
0x98: {  	v1 =	vld [tilespmem:s29+$0xB810]  }
0x99: {  	v3 =	vld [tilespmem:s29+$0x5210]  }
0x9a: {  	v0 =	vld [tilespmem:s29+$0xB820];
	v7 =	vadd.f32 v4, v2  }
0x9b: {  	s28 =	simm.s32 $0x80;
	v4 =	vld [tilespmem:s29+$0x5220]  }
0x9c: {  	s30 =	simm.s32 $0x400;
	v2 =	vld [tilespmem:s28+$0xB830];
	v5 =	vadd.f32 v6, v5;
	[tilespmem:s29+$0x18830] =	vst v7  }
.LBB2_9:
0x9d: {  	p1 =	sne.s32 s30, $0xC600;
	v6 =	vld [tilespmem:s28+$0x5230]  }
0x9e: {  	v7 =	vld [tilespmem:s28+$0xB800];
	[tilespmem:s29+$0x18800] =	vst v5;
	v3 =	vadd.f32 v3, v1  }
0x9f: {  	v5 =	vld [tilespmem:s28+$0x5200]  }
.Ltmp5:
0xa0: {  	v1 =	vld [tilespmem:s28+$0xB810];
	[tilespmem:s29+$0x18810] =	vst v3;
	v4 =	vadd.f32 v4, v0;
	(pc) =	sbr.rel @p1 .LBB2_9-.Ltmp5, $4  }
0xa1: {  	v3 =	vld [tilespmem:s28+$0x5210]  }
0xa2: {  	v0 =	vld [tilespmem:s28+$0xB820];
	v6 =	vadd.f32 v6, v2;
	[tilespmem:s29+$0x18820] =	vst v4;
	s29 =	smov.u32 s28  }
0xa3: {  	s28 =	sshra.s32 s30, $0x2;
	v4 =	vld [tilespmem:s29+$0x5220]  }
0xa4: {  	s30 =	sadd.s32 $0x200, s30;
	v2 =	vld [tilespmem:s28+$0xB830];
	v5 =	vadd.f32 v5, v7;
	[tilespmem:s29+$0x18830] =	vst v6  }
0xa5: {  	v6 =	vld [tilespmem:s28+$0x5230]  }
0xa6: {  	v7 =	vld [tilespmem:s28+$0xB800];
	[tilespmem:s29+$0x18800] =	vst v5;
	v1 =	vadd.f32 v3, v1  }
0xa7: {  	v62 =	vld [tilespmem:s28+$0x5200]  }
0xa8: {  	v5 =	vld [tilespmem:s28+$0xB810];
	[tilespmem:s29+$0x18810] =	vst v1;
	v0 =	vadd.f32 v4, v0  }
0xa9: {  	v1 =	vld [tilespmem:s28+$0x5210]  }
0xaa: {  	v63 =	vld [tilespmem:s28+$0xB820];
	[tilespmem:s29+$0x18820] =	vst v0  }
0xab: {  	v0 =	vld [tilespmem:s28+$0x5220];
	_ =	sdelay $0x1  }
0xac: {  	v2 =	vadd.f32 v6, v2  }
0xad: {  	s26 =	sadd.s32 s26, s7;
	v3 =	vadd.f32 v62, v7  }
0xae: {  	s26 =	smul.u32 $0xD00, s26;
	[tilespmem:s28+$0x18830] =	vst v2;
	v1 =	vadd.f32 v1, v5  }
0xaf: {  	[tilespmem:s28+$0x18800] =	vst v3;
	v0 =	vadd.f32 v0, v63  }
.Ltmp6:
0xb0: {  	s26 =	sadd.s32 s5, s26;
	[tilespmem:s28+$0x18810] =	vst v1;
	(pc) =	sbr.rel @p0 .LBB2_12-.Ltmp6, $4  }
0xb1: {  	s31 =	sadd.s32 $0xD00, s26;
	[tilespmem:s28+$0x18820] =	vst v0  }
0xb2: {  	[hbm4b:s31+s2] =	stream.linear.scatter [tilespmem:s19], [sflag:$0x4], $0x3200, $0x38;
	[tilespmem:$0x1BC00] =	vst v63  }
0xb3: {  	s26 =	sadd.s32 $0x1380, s26  }
0xb4: {  	[hbm4b:s26+s2] =	stream.linear.scatter [tilespmem:s20], [sflag:$0x4], $0x3200, $0x38;
	[tilespmem:$0x1BC00] =	vst v63  }
.Ltmp7:
0xb5: {  	(pc) =	sbr.rel .LBB2_2-.Ltmp7, $3  }
0xb6: {  	_ =	sdelay $0x1  }
0xb7: {  	s25 =	sadd.s32 $0x280, s25;
	s24 =	sadd.s32 $0x1, s24  }
0xb8: {  	[tilespmem:s14], [sflag:$0x2] =	stream.indirect.gather [hbm4b:s3+s11], $0x80, s25, s11, $0xb8;
	[tilespmem:$0x1BC00] =	vst v63  }
.LBB2_13:
0xb9: {  	_ =	sfence.sel $0x180000  }
0xba: {  	[bflag:$0x0] =	sbarrier.arrive $0xFFFF  }
0xbb: {  	p0 =	sne.s32 s1, $0x0;
	_ =	strace $0x90000047  }
0xbc: {  	s0 =	sadd.s32 @!p0 $0x100000, s0;
	[bflag:$0x2] =	sbarrier.arrive $0xFFFF  }
0xbd: {  	[sflag:s0] =	ssyncadd.tile.s32 @!p0 $0x1;
	_ =	shalt  }
.Lfunc_end2:
_tile_overlayer_lowered:
.L_overlay_start_2:
0xbe: {  	(tag) =	ssettag $0x2  }
0xbf: {  	s0 =	rddreg [dreg:$0x0];
	s2 =	stileid.u32  }
0xc0: {  	s1 =	rddreg [dreg:$0x1];
	p0 =	sne.s32 s2, $0x0  }
0xc1: {  	s3 =	rddreg [dreg:$0x2];
	[bflag:$0x3] =	sbarrier.arrive $0xFFFF;
	s2 =	simm.s32 @!p0 $0x1C05  }
0xc2: {  	[timem:s3], [sflag:s2] =	dma.local @!p0 [hbm:s0], s1  }
0xc3: {  	s0 =	simm.s32 @!p0 $0x5  }
0xc4: {  	_ =	swait.ge @!p0 [sflag:s0], s1  }
0xc5: {  	s1 =	ssub.s32 @!p0 $0x0, s1;
	[sflag:s0] =	ssyncset.done @!p0 $0x0  }
0xc6: {  	[sflag:s0] =	ssyncadd.s32 @!p0 s1  }
0xc7: {  	[bflag:$0x3] =	sbarrier.arrive $0xFFFF  }
0xc8: {  	_ =	shalt  }

// kernel: sparse-core-data-format-call.cloned.1.call-start
scs
called_computation_lowered:
.L_overlay_start_0:
0x0: {  	s2 =	sld [smem:$0x3FD9]  }
0x1: {  	s3 =	sld [smem:$0x3FFE];
	_ =	sdelay $0x1  }
0x2: {  	s1 =	srdreg.scid  }
0x3: {  	s0 =	sand.u32 $0x1, s1  }
0x4: {  	s18 =	sshll.u32 s0, $0xA;
	s2 =	sadd.s32 s3, s2  }
0x5: {  	s2 =	sadd.s32 s2, s18  }
0x6: {  	[smem:$0x3FC5] =	sst s2  }
0x7: {  	_ = 	snop  }
0x8: {  	s2 =	sld [smem:$0x3FD0];
	(tm) =	ssettm $0x1  }
0x9: {  	s19 =	sld [smem:$0x3FFB];
	_ =	sdelay $0x3  }
0xa: {  	_ =	strace s19  }
0xb: {  	s3 =	sld [smem:$0x3FFC];
	_ =	sdelay $0x3  }
0xc: {  	_ =	strace s3  }
0xd: {  	s3 =	sld [smem:$0x3FFD];
	_ =	sdelay $0x3  }
0xe: {  	_ =	strace s3  }
0xf: {  	_ =	strace $0x8FFFFFFF  }
0x10: {  	s20 =	sld [smem:$0x3FDB];
	_ =	sdelay $0x1  }
0x11: {  	s4 =	simm.s32 $_scs_section_size  }
0x12: {  	s5 =	simm.s32 $_size__tile_overlayer_lowered;
	s6 =	simm.s32 $_tile_overlayer_lowered  }
0x13: {  	s23 =	simm.s32 $0x1BFF;
	s22 =	sshll.u32 s6, $0x1;
	s3 =	sadd.s32 s4, s20  }
0x14: {  	s7 =	simm.s32 $0x0;
	s21 =	sshll.u32 s5, $0x1;
	s5 =	sadd.s32 s22, s3  }
0x15: {  	[timem:s7], [sflag:s23] =	dma.local [hbm:s5], s21  }
0x16: {  	_ =	swait.ge [sflag:s23], s21  }
0x17: {  	s4 =	ssub.s32 $0x0, s21;
	[sflag:s23] =	ssyncset.done $0x0  }
0x18: {  	[sflag:s23] =	ssyncadd.s32 s4;
	_ =	sdelay $0x1  }
0x19: {  	s24 =	simm.s32 $0x1B8B  }
0x1a: {  	_ =	swait.ge [sflag:s24], $0x1  }
0x1b: {  	[sflag:s24] =	ssyncset.done $0x0  }
0x1c: {  	s26 =	simm.s32 $0x1B8E;
	s25 =	sld [smem:$0x3FFE];
	[sflag:s24] =	ssyncadd.s32 $0xFFFFFFFF  }
0x1d: {  	s27 =	simm.s32 $execute0_lowered;
	[smem:$0x3FD2] =	sst s26  }
0x1e: {  	s5 =	sshll.u32 s27, $0x1;
	_ =	strace $0x80000049;
	[dreg:$0x1] =	wrdreg $0xFFFFFFFF  }
0x1f: {  	s28 =	simm.s32 $_size_execute0_lowered;
	s3 =	sadd.s32 s3, s5;
	[dreg:$0x0] =	wrdreg $0x0  }
0x20: {  	s5 =	sshll.u32 s28, $0x1;
	[dreg:$0x2] =	wrdreg s3  }
0x21: {  	[dreg:$0x3] =	wrdreg s5  }
0x22: {  	[dreg:$0x4] =	wrdreg $0xC0  }
0x23: {  	_ =	task [dreg:s7], $0x5FFFF  }
0x24: {  	[dreg:$0x1] =	wrdreg $0xFFFFFFFF  }
0x25: {  	[dreg:$0x0] =	wrdreg $0x60  }
0x26: {  	[dreg:$0x2] =	wrdreg s25  }
0x27: {  	[dreg:$0x3] =	wrdreg s2  }
0x28: {  	[dreg:$0x4] =	wrdreg $0x9  }
0x29: {  	_ =	task.clear_ibuf [dreg:s7], $0x5FFFF;
	_ =	strace $0x90000049  }
0x2a: {  	s29 =	simm.s32 $0x9;
	_ =	strace $0x8000004B  }
0x2b: {  	_ =	swait.ge [sflag:s29], $0x1  }
0x2c: {  	[sflag:s29] =	ssyncadd.s32 $0xFFFFFFFF  }
0x2d: {  	_ =	strace $0x9000004B  }
0x2e: {  	_ =	sfence  }
0x2f: {  	s30 =	sld [smem:$0x0];
	_ =	sdelay $0x2  }
0x30: {  	s31 =	sshll.u32 s1, $0xD;
	s1 =	sshrl.u32 s1, $0x2  }
0x31: {  	s3 =	sand.u32 $0x4000, s31;
	s1 =	sadd.s32 s1, s30  }
0x32: {  	s0 =	sor.u32 s3, s0;
	s1 =	sshll.u32 s1, $0x11  }
0x33: {  	s0 =	sor.u32 s1, s0  }
0x34: {  	s0 =	sadd.s32 $0x8F2B, s0  }
0x35: {  	[sflag:s0] =	ssyncadd.remote.s32 $0x1  }
0x36: {  	_ =	sfence.sel $0xFFFF  }
0x37: {  	[dreg:$0x0] =	wrdreg $0xFFFFFFFF;
	(pc) =	sbr.abs _section_cstart, $3  }
0x38: {  	[dreg:$0x1] =	wrdreg $0xFFFFFFFF  }
0x39: {  	_ =	task.clear_ibuf [dreg:s7], $0x2FFFF;
	_ =	strace $0x9FFFFFFF  }
0x3a: {  	(tm) =	ssettm $0x7FFFFFFF  }
0x3b: {  	_ =	shalt  }
tec
execute0_lowered:
.L_overlay_start_1:
0x0: {  	(tag) =	ssettag $0x1  }
0x1: {  	s0 =	stileid.u32;
	s6 =	rddreg [dreg:$0x0]  }
0x2: {  	s2 =	rddreg [dreg:$0x1];
	s5 =	srdreg.scid  }
0x3: {  	s31 =	simm.s32 $0x2;
	s13 =	simm.s32 $0x0;
	s1 =	sshll.u32 s0, $0x7  }
0x4: {  	s14 =	simm.s32 $0x0;
	s12 =	simm.s32 $0x0;
	s3 =	sand.u32 $0x380, s1  }
0x5: {  	s5 =	sshll.u32 s5, $0x4;
	s6 =	sadd.s32 $0x4D0000, s6;
	s4 =	ssub.s32 $0x400, s3  }
0x6: {  	s1 =	rddreg [dreg:$0x2];
	_ =	strace $0x8000004A;
	s7 =	sand.u32 $0x380, s4  }
0x7: {  	s5 =	sand.u32 $0x10, s5;
	p0 =	sne.s32 s7, $0x0;
	s7 =	simm.s32 $0x1  }
.Ltmp0:
0x8: {  	s8 =	sshrl.u32 s4, $0xA;
	s7 =	simm.s32 @!p0 $0x0;
	(pc) =	sbr.rel .LBB1_1-.Ltmp0, $4  }
0x9: {  	s9 =	sor.u32 s0, s5;
	s4 =	simm.s32 $0x1;
	s30 =	sadd.s32 s7, s8  }
0xa: {  	s11 =	smov.u32 s3;
	[sflag:s4] =	ssyncpa.u1 $0x0;
	s5 =	smul.u32 $0x32, s30  }
0xb: {  	[sflag:s31] =	ssyncpa.u1 $0x0;
	p0 =	por $0x0, $0x0;
	s7 =	sshrl.u32 s9, $0x3  }
0xc: {  	s9 =	simm.s32 $0x2000;
	s10 =	smov.u32 s7;
	s8 =	sor.u32 $0x1, s5  }
.LBB1_4:
0xd: {  	s17 =	sand.u32 $0x1F80, s14;
	s13 =	sshll.u32 s13, $0xD  }
0xe: {  	[tilespmem:s16+$0x810 ss:$0x81] =	vst.msk $0xffff, v2;
	s18 =	sshrl.u32 s14, $0x3;
	s31 =	sand.u32 $0x7, s14;
	s17 =	sadd.s32 s2, s17  }
0xf: {  	[tilespmem:s16+$0x1020 ss:$0x81] =	vst.msk $0xffff, v0;
	s18 =	sand.u32 $0xF, s18;
	s14 =	sshll.u32 s31, $0x12;
	s13 =	sadd.s32 s13, s17  }
0x10: {  	[tilespmem:s16+$0x0 ss:$0x81] =	vst.msk $0xffff, v1;
	s14 =	sor.u32 $0x400, s14;
	s13 =	sadd.s32 s18, s13  }
0x11: {  	[hbm4b:s13+s14] =	stream.strided.scatter [tilespmem:s15], [sflag:$0x2], $0x2000, s9, s14, $0x20;
	[tilespmem:$0x8080] =	vst v63  }
.LBB1_5:
0x12: {  	s15 =	sadd.s32 $0x4, s10  }
0x13: {  	s13 =	sadd.s32 $0x400, s11;
	s17 =	smov.u32 s11;
	p2 =	sgt.s32 s15, $0xC7  }
0x14: {  	s17 =	smov.u32 @p2 s13  }
0x15: {  	s15 =	smov.u32 @p2 s7;
	p2 =	sgt.s32 s17, $0x3FF  }
0x16: {  	s17 =	smov.u32 @p2 s3;
	p2 =	sne.s32 s12, s8  }
.Ltmp1:
0x17: {  	p1 =	slt.u32 s12, $0x2;
	(pc) =	sbr.rel @!p2 .LBB1_6-.Ltmp1, $4  }
0x18: {  	s16 =	simm.s32 @!p1 $0x2  }
0x19: {  	s14 =	smov.u32 s11;
	p0 =	por !p0, !p0;
	_ =	swait.ge @!p1 [sflag:s16], $0x2000  }
0x1a: {  	s13 =	smov.u32 s10;
	[sflag:s16] =	ssyncset.done @!p1 $0x0;
	s10 =	smov.u32 s15  }
0x1b: {  	s12 =	sadd.s32 $0x1, s12;
	[sflag:s16] =	ssyncadd.s32 @!p1 $0xFFFFE000;
	s11 =	smov.u32 s17  }
.LBB1_1:
0x1c: {  	p1 =	sge.u32 s12, s5  }
0x1d: {  	s15 =	sand.u32 @!p1 $0x1FFFFFF, s10  }
0x1e: {  	s16 =	smulhi.u32 @!p1 $0x147AE15, s15;
	_ =	sdelay $0x1  }
0x1f: {  	s16 =	smul.u32 @!p1 $0xC8, s16  }
0x20: {  	s17 =	sxor.u32 @!p1 $0xFFFFFFFF, s12;
	s18 =	smul.u32 @!p1 $0xC80, s11  }
0x21: {  	s31 =	sadd.s32 $0xFFFFFFFF, s12;
	s17 =	sshll.u32 @!p1 s17, $0xD;
	s15 =	ssub.s32 @!p1 s15, s16  }
0x22: {  	s16 =	sand.u32 @!p1 $0x2000, s17;
	s17 =	sadd.s32 @!p1 s6, s18;
	s15 =	sshll.u32 @!p1 s15, $0x4  }
0x23: {  	s18 =	simm.s32 @!p1 $0x6400;
	s15 =	sadd.s32 @!p1 s15, s17;
	s17 =	simm.s32 @!p1 $0x40  }
0x24: {  	[tilespmem:s16], [sflag:$0x1] =	stream.strided.gather @!p1 [hbm4b:s15+s17], $0x2000, s18, s17, $0x38;
	[tilespmem:$0x8080] =	vst v63  }
0x25: {  	p1 =	sge.u32 s31, s5  }
.Ltmp2:
0x26: {  	_ = 	snop;
	(pc) =	sbr.rel @p1 .LBB1_5-.Ltmp2, $1  }
0x27: {  	_ =	sdelay $0x3  }
0x28: {  	s15 =	simm.s32 $0x1  }
0x29: {  	_ =	swait.ge [sflag:s4], $0x2000;
	s15 =	simm.s32 @!p0 $0x0  }
0x2a: {  	[sflag:s4] =	ssyncset.done $0x0;
	s16 =	sshll.u32 s15, $0xD  }
0x2b: {  	[sflag:s4] =	ssyncadd.s32 $0xFFFFE000;
	s19 =	sor.u32 $0x20, s16  }
0x2c: {  	s15 =	smul.u32 $0x8100, s15;
	v3 =	vld [tilespmem:s19+$0x10]  }
0x2d: {  	s30 =	sand.u32 $0x1, s12;
	v2 =	vld [tilespmem:s19+$0xFFFFFFF0]  }
0x2e: {  	s16 =	smul.u32 $0x8100, s30;
	s15 =	sshrl.u32 s15, $0x2;
	v0 =	vld [tilespmem:s19+$0x0]  }
0x2f: {  	v1 =	vld [tilespmem:s19+$0xFFFFFFE0];
	s17 =	sor.u32 $0x4000, s15  }
0x30: {  	s31 =	sshrl.u32 s16, $0x2;
	s16 =	sadd.s32 $0x0, s17  }
0x31: {  	s18 =	simm.s32 $0x4;
	s19 =	sadd.s32 $0x40, s19;
	s15 =	sor.u32 $0x4000, s31;
	[tilespmem:s16+$0x1830 ss:$0x81] =	vst.msk $0xffff, v3  }
.LBB1_3:
0x32: {  	v3 =	vld [tilespmem:s19+$0x10];
	p1 =	sne.s32 s18, $0x1FC;
	[tilespmem:s16+$0x810 ss:$0x81] =	vst.msk $0xffff, v2;
	s20 =	smov.u32 s18;
	s18 =	sadd.s32 $0x4, s18  }
.Ltmp3:
0x33: {  	v2 =	vld [tilespmem:s19+$0xFFFFFFF0];
	[tilespmem:s16+$0x1020 ss:$0x81] =	vst.msk $0xffff, v0;
	(pc) =	sbr.rel @p1 .LBB1_3-.Ltmp3, $4  }
0x34: {  	v0 =	vld [tilespmem:s19+$0x0];
	[tilespmem:s16+$0x0 ss:$0x81] =	vst.msk $0xffff, v1  }
0x35: {  	s16 =	sshra.s32 s20, $0x2;
	v1 =	vld [tilespmem:s19+$0xFFFFFFE0]  }
0x36: {  	s16 =	sadd.s32 s16, s17  }
0x37: {  	s19 =	sadd.s32 $0x40, s19;
	[tilespmem:s16+$0x1830 ss:$0x81] =	vst.msk $0xffff, v3  }
.Ltmp4:
0x38: {  	_ = 	snop;
	(pc) =	sbr.rel .LBB1_4-.Ltmp4, $1  }
0x39: {  	_ =	sdelay $0x3  }
.LBB1_6:
0x3a: {  	_ =	sfence.sel $0x180000  }
0x3b: {  	s2 =	simm.s32 $0x1;
	[bflag:$0x0] =	sbarrier.arrive $0xFFFF  }
0x3c: {  	s31 =	simm.s32 $0x2;
	[sflag:s2] =	ssyncpa.u1 $0x1  }
0x3d: {  	[sflag:s31] =	ssyncpa.u1 $0x1  }
0x3e: {  	p0 =	sne.s32 s0, $0x0;
	_ =	strace $0x9000004A  }
0x3f: {  	s0 =	sadd.s32 @!p0 $0x100000, s1;
	[bflag:$0x2] =	sbarrier.arrive $0xFFFF  }
0x40: {  	[sflag:s0] =	ssyncadd.tile.s32 @!p0 $0x1;
	_ =	shalt  }
.Lfunc_end1:
_tile_overlayer_lowered:
.L_overlay_start_2:
0x41: {  	(tag) =	ssettag $0x2  }
0x42: {  	s0 =	rddreg [dreg:$0x0];
	s2 =	stileid.u32  }
0x43: {  	s1 =	rddreg [dreg:$0x1];
	p0 =	sne.s32 s2, $0x0  }
0x44: {  	s3 =	rddreg [dreg:$0x2];
	[bflag:$0x3] =	sbarrier.arrive $0xFFFF;
	s2 =	simm.s32 @!p0 $0x1C01  }
0x45: {  	[timem:s3], [sflag:s2] =	dma.local @!p0 [hbm:s0], s1  }
0x46: {  	s0 =	simm.s32 @!p0 $0x1  }
0x47: {  	_ =	swait.ge @!p0 [sflag:s0], s1  }
0x48: {  	s1 =	ssub.s32 @!p0 $0x0, s1;
	[sflag:s0] =	ssyncset.done @!p0 $0x0  }
0x49: {  	[sflag:s0] =	ssyncadd.s32 @!p0 s1  }
0x4a: {  	[bflag:$0x3] =	sbarrier.arrive $0xFFFF  }
0x4b: {  	_ =	shalt  }

</sc_bundles>
